<compile_context>
chip_gen: v7x
topology: tpu7x:2x2x1
jax: 0.10.2.dev20260603
libtpu: 0.0.44.dev20260713+nightly
codegen_flags: <defaults>
</compile_context>

<pallas_src>
import jax
import jax.numpy as jnp
from jax import lax
from jax.experimental import pallas as pl
from jax.experimental.pallas import tpu as pltpu
from jax.experimental.pallas import tpu_sc as plsc

_N = 10000
_E = 320000
_D = 128
_DE = 16
_NG = 64

_NC = 2
_NS = 16
_NW = _NC * _NS
_N_PAD = 10240
_CH = 128
_RCH = 2528
_E_PAD = _RCH * _CH
_CPW = _RCH // _NW
_ROWS_PER_TILE = _N_PAD // _NS

_f32 = jnp.float32


def _enc_body(attr_ref, we_ref, be_ref, e0_ref, e1_ref, e2_ref):
    a = attr_ref[...]
    for l, ref in enumerate((e0_ref, e1_ref, e2_ref)):
        ref[...] = (
            jnp.dot(a, we_ref[l], preferred_element_type=_f32) + be_ref[l]
        )


def _encode(attr_p, we, be):
    blk = 1024
    grid = _E_PAD // blk
    return pl.pallas_call(
        _enc_body,
        grid=(grid,),
        in_specs=[
            pl.BlockSpec((blk, _DE), lambda i: (i, 0)),
            pl.BlockSpec((3, _DE, _D), lambda i: (0, 0, 0)),
            pl.BlockSpec((3, _D), lambda i: (0, 0)),
        ],
        out_specs=[pl.BlockSpec((blk, _D), lambda i: (i, 0))] * 3,
        out_shape=[jax.ShapeDtypeStruct((_E_PAD, _D), _f32)] * 3,
    )(attr_p, we, be)


def _sc_edge_body(h_hbm, e_hbm, sd_hbm, zero_hbm, a0_hbm, a1_hbm,
                  sd_v, e_v, agg_sh, sem):
    cid = lax.axis_index("c")
    sid = lax.axis_index("s")
    wid = sid * _NC + cid
    base = wid * _CPW
    tile_rows = pl.ds(sid * _ROWS_PER_TILE, _ROWS_PER_TILE)

    pltpu.sync_copy(zero_hbm.at[tile_rows, :], agg_sh.at[tile_rows, :])
    plsc.subcore_barrier()

    def chunk(r, carry):
        row = base + r
        pltpu.sync_copy(sd_hbm.at[row], sd_v)
        pltpu.sync_copy(e_hbm.at[row], e_v)
        pltpu.async_copy(h_hbm.at[sd_v.at[0]], e_v, sem, add=True).wait()

        def relu_row(j, c2):
            for dd in range(8):
                sl = pl.ds(dd * 16, 16)
                e_v[j, sl] = jnp.maximum(e_v[j, sl], 0.0)
            return c2

        lax.fori_loop(0, _CH, relu_row, 0, unroll=2)
        pltpu.sync_copy(e_v, agg_sh.at[sd_v.at[1]], add=True)
        return carry

    lax.fori_loop(0, _CPW, chunk, 0)
    plsc.subcore_barrier()

    @pl.when(cid == 0)
    def _():
        pltpu.sync_copy(agg_sh.at[tile_rows, :], a0_hbm.at[tile_rows, :])

    @pl.when(cid == 1)
    def _():
        pltpu.sync_copy(agg_sh.at[tile_rows, :], a1_hbm.at[tile_rows, :])


_edge_pass = pl.kernel(
    _sc_edge_body,
    out_type=(
        jax.ShapeDtypeStruct((_N_PAD, _D), _f32),
        jax.ShapeDtypeStruct((_N_PAD, _D), _f32),
    ),
    mesh=plsc.VectorSubcoreMesh(core_axis_name="c", subcore_axis_name="s"),
    scratch_types=[
        pltpu.VMEM((2, _CH), jnp.int32),
        pltpu.VMEM((_CH, _D), _f32),
        pltpu.VMEM_SHARED((_N_PAD, _D), _f32),
        pltpu.SemaphoreType.DMA,
    ],
)


def _mlp_body(eps_ref, h_ref, a0_ref, a1_ref, w1_ref, b1_ref, w2_ref, b2_ref,
              o_ref):
    z = h_ref[...] * (1.0 + eps_ref[0, 0]) + a0_ref[...] + a1_ref[...]
    t = jnp.maximum(
        jnp.dot(z, w1_ref[...], preferred_element_type=_f32) + b1_ref[...],
        0.0,
    )
    o_ref[...] = jnp.dot(t, w2_ref[...], preferred_element_type=_f32) + b2_ref[...]


def _mlp(h, a0, a1, p):
    blk = 1024
    grid = _N_PAD // blk
    return pl.pallas_call(
        _mlp_body,
        grid=(grid,),
        in_specs=[
            pl.BlockSpec(memory_space=pltpu.SMEM),
            pl.BlockSpec((blk, _D), lambda i: (i, 0)),
            pl.BlockSpec((blk, _D), lambda i: (i, 0)),
            pl.BlockSpec((blk, _D), lambda i: (i, 0)),
            pl.BlockSpec((_D, 2 * _D), lambda i: (0, 0)),
            pl.BlockSpec((1, 2 * _D), lambda i: (0, 0)),
            pl.BlockSpec((2 * _D, _D), lambda i: (0, 0)),
            pl.BlockSpec((1, _D), lambda i: (0, 0)),
        ],
        out_specs=pl.BlockSpec((blk, _D), lambda i: (i, 0)),
        out_shape=jax.ShapeDtypeStruct((_N_PAD, _D), _f32),
    )(
        p["eps"].reshape(1, 1),
        h,
        a0,
        a1,
        p["W1"],
        p["b1"].reshape(1, 2 * _D),
        p["W2"],
        p["b2"].reshape(1, _D),
    )


def _pool_body(batch_ref, h_ref, wl1_ref, bl1_ref, wl2_ref, bl2_ref, o_ref):
    b = batch_ref[...]
    seg = lax.broadcasted_iota(jnp.int32, (_N_PAD, _NG), 1)
    mask = (b == seg).astype(_f32)
    g = lax.dot_general(
        mask, h_ref[...], (((0,), (0,)), ((), ())),
        preferred_element_type=_f32,
    )
    t = jnp.maximum(
        jnp.dot(g, wl1_ref[...], preferred_element_type=_f32) + bl1_ref[...],
        0.0,
    )
    o_ref[...] = jnp.dot(t, wl2_ref[...], preferred_element_type=_f32) + bl2_ref[...]


def _pool(h, batch_p, wl1, bl1, wl2, bl2):
    return pl.pallas_call(
        _pool_body,
        out_shape=jax.ShapeDtypeStruct((_NG, 1), _f32),
    )(batch_p, h, wl1, bl1.reshape(1, 64), wl2, bl2.reshape(1, 1))


@jax.jit
def kernel(x, edge_index, edge_attr, batch, params):
    src = edge_index[0]
    dst = edge_index[1]
    pad_e = _E_PAD - _E
    src_p = jnp.concatenate([src, jnp.zeros((pad_e,), jnp.int32)]).reshape(
        _RCH, _CH)
    dst_p = jnp.concatenate([dst, jnp.full((pad_e,), _N, jnp.int32)]).reshape(
        _RCH, _CH)
    sd_p = jnp.stack([src_p, dst_p], axis=1)
    attr_p = jnp.concatenate(
        [edge_attr, jnp.zeros((pad_e, _DE), _f32)], axis=0)
    h = jnp.concatenate([x, jnp.zeros((_N_PAD - _N, _D), _f32)], axis=0)
    zeros_nd = jnp.zeros((_N_PAD, _D), _f32)
    batch_p = jnp.concatenate(
        [batch, jnp.full((_N_PAD - _N,), _NG, jnp.int32)]).reshape(_N_PAD, 1)

    we = jnp.stack([p["We"] for p in params["convs"]])
    be = jnp.stack([p["be"] for p in params["convs"]])
    es = _encode(attr_p, we, be)

    for l, p in enumerate(params["convs"]):
        e3 = es[l].reshape(_RCH, _CH, _D)
        a0, a1 = _edge_pass(h, e3, sd_p, zeros_nd)
        h = _mlp(h, a0, a1, p)

    return _pool(h, batch_p, params["Wl1"], params["bl1"], params["Wl2"],
                 params["bl2"])

# --- scband reference (transcript-rebuilt; emitter-appended) ---
"""Pipeline reference for scband-gingenerate-40862318854903 (READ-ONLY COPY).

The authoritative reference and input builder live on the scoring server;
editing this copy changes nothing except your own understanding.
"""

import jax, jax.numpy as jnp
import numpy as np

N = 10000
E = 320000
D = 128
DE = 16
NG = 64
NL = 3


def _init_params(key):
    convs = []
    for i in range(NL):
        k = jax.random.fold_in(key, i + 1)
        kk = jax.random.split(k, 3)
        convs.append({
            'We': jax.random.normal(kk[0], (DE, D), dtype=jnp.float32) / np.sqrt(DE),
            'be': jnp.zeros((D,), dtype=jnp.float32),
            'W1': jax.random.normal(kk[1], (D, 2 * D), dtype=jnp.float32) / np.sqrt(D),
            'b1': jnp.zeros((2 * D,), dtype=jnp.float32),
            'W2': jax.random.normal(kk[2], (2 * D, D), dtype=jnp.float32) / np.sqrt(2 * D),
            'b2': jnp.zeros((D,), dtype=jnp.float32),
            'eps': jnp.zeros((), dtype=jnp.float32),
        })
    kl = jax.random.fold_in(key, 1000)
    k1, k2 = jax.random.split(kl)
    return {
        'convs': tuple(convs),
        'Wl1': jax.random.normal(k1, (D, 64), dtype=jnp.float32) / np.sqrt(D),
        'bl1': jnp.zeros((64,), dtype=jnp.float32),
        'Wl2': jax.random.normal(k2, (64, 1), dtype=jnp.float32) / np.sqrt(64),
        'bl2': jnp.zeros((1,), dtype=jnp.float32),
    }


def setup_inputs(seed: int = 0) -> dict:
    key = jax.random.key(seed)
    ks = jax.random.split(key, 5)
    x = jax.random.normal(ks[0], (N, D), dtype=jnp.float32)
    edge_index = jax.random.randint(ks[1], (2, E), 0, N, dtype=jnp.int32)
    edge_attr = jax.random.normal(ks[2], (E, DE), dtype=jnp.float32)
    batch = jnp.sort(jax.random.randint(ks[3], (N,), 0, NG, dtype=jnp.int32))
    params = _init_params(ks[4])
    return {'x': x, 'edge_index': edge_index, 'edge_attr': edge_attr, 'batch': batch, 'params': params}


def _gin_conv(x, edge_index, edge_attr, p):
    src = edge_index[0]
    dst = edge_index[1]
    # edge encoder (embeds edge_attr into emb_dim)
    e = edge_attr @ p['We'] + p['be']
    # message: relu(x_j + edge_emb), aggregated by sum onto destination nodes
    msg = jax.nn.relu(jnp.take(x, src, axis=0) + e)
    agg = jnp.zeros_like(x).at[dst].add(msg)
    # GIN update: MLP((1 + eps) * x + aggr)
    h = (1.0 + p['eps']) * x + agg
    h = jax.nn.relu(h @ p['W1'] + p['b1'])
    h = h @ p['W2'] + p['b2']
    return h


def reference(x, edge_index, edge_attr, batch, params):
    h = x
    for p in params['convs']:
        h = _gin_conv(h, edge_index, edge_attr, p)
    # global_add_pool over graphs in the batch
    g = jax.ops.segment_sum(h, batch, num_segments=NG)
    g = jax.nn.relu(g @ params['Wl1'] + params['bl1'])
    # dropout is identity in eval mode
    out = g @ params['Wl2'] + params['bl2']
    return out

if __name__ == "__main__":
    import jax
    _d = setup_inputs()
    print(jax.jit(kernel)(*tuple(_d.values())))

</pallas_src>

<mosaic_0001>
#map = affine_map<(d0, d1) -> (0, 0)>
#map1 = affine_map<(d0, d1) -> (0, 0, 0)>
module attributes {stable_mosaic.version = 14 : i64} {
  func.func @_sc_edge_body(%arg0: i32, %arg1: i32, %arg2: memref<10240x128xf32, #tpu.memory_space<hbm>>, %arg3: memref<2528x128x128xf32, #tpu.memory_space<hbm>>, %arg4: memref<2528x2x128xi32, #tpu.memory_space<hbm>>, %arg5: memref<10240x128xf32, #tpu.memory_space<hbm>>, %arg6: memref<10240x128xf32, #tpu.memory_space<hbm>>, %arg7: memref<10240x128xf32, #tpu.memory_space<hbm>>, %arg8: memref<2x128xi32, #tpu.memory_space<vmem>>, %arg9: memref<128x128xf32, #tpu.memory_space<vmem>>, %arg10: memref<10240x128xf32, #tpu.memory_space<vmem_shared>>, %arg11: memref<!tpu.dma_semaphore, #tpu.memory_space<semaphore_mem>>) attributes {dimension_semantics = [#tpu.dimension_semantics<core_parallel>, #tpu.dimension_semantics<subcore_parallel>], iteration_bounds = array<i64: 2, 16>, scalar_prefetch = 0 : i64, scratch_operands = 4 : i64, tpu.core_type = #tpu.core_type<sc_vector_subcore>, window_params = [{transform_indices = #map}, {transform_indices = #map1}, {transform_indices = #map1}, {transform_indices = #map}, {transform_indices = #map}, {transform_indices = #map}]} {
    %mul3A = arith.constant 2 : i32
    %mul3A_0 = arith.muli %arg1, %mul3A : i32
    %add3A = arith.addi %mul3A_0, %arg0 : i32
    %mul3A_1 = arith.constant 79 : i32
    %mul3A_2 = arith.muli %add3A, %mul3A_1 : i32
    %mul3A_3 = arith.constant 640 : i32
    %mul3A_4 = arith.muli %arg1, %mul3A_3 : i32
    "tpu.region"() ({
      %run_scoped3A = tpu.sem_alloc : memref<!tpu.dma_semaphore, #tpu.memory_space<semaphore_mem>>
      %dma_start3A = arith.constant 0 : i32
      %dma_start3A_18 = tpu.memref_slice %arg10[%mul3A_4, %dma_start3A] : memref<10240x128xf32, #tpu.memory_space<vmem_shared>> -> memref<640x128xf32, #tpu.memory_space<vmem_shared>>
      %dma_start3A_19 = arith.constant 0 : i32
      %dma_start3A_20 = tpu.memref_slice %arg5[%mul3A_4, %dma_start3A_19] : memref<10240x128xf32, #tpu.memory_space<hbm>> -> memref<640x128xf32, #tpu.memory_space<hbm>>
      tpu.enqueue_dma source(%dma_start3A_20 : memref<640x128xf32, #tpu.memory_space<hbm>>) target(%dma_start3A_18 : memref<640x128xf32, #tpu.memory_space<vmem_shared>>) target_semaphore(%run_scoped3A : memref<!tpu.dma_semaphore, #tpu.memory_space<semaphore_mem>>)
      %dma_wait3A = arith.constant 0 : i32
      %dma_wait3A_21 = tpu.memref_slice %arg10[%mul3A_4, %dma_wait3A] : memref<10240x128xf32, #tpu.memory_space<vmem_shared>> -> memref<640x128xf32, #tpu.memory_space<vmem_shared>>
      %dma_wait3A_22 = arith.constant 0 : i32
      %dma_wait3A_23 = tpu.memref_slice %arg5[%mul3A_4, %dma_wait3A_22] : memref<10240x128xf32, #tpu.memory_space<hbm>> -> memref<640x128xf32, #tpu.memory_space<hbm>>
      tpu.wait_dma2 semaphore(%run_scoped3A : memref<!tpu.dma_semaphore, #tpu.memory_space<semaphore_mem>>) src(%dma_wait3A_23 : memref<640x128xf32, #tpu.memory_space<hbm>>) dst(%dma_wait3A_21 : memref<640x128xf32, #tpu.memory_space<vmem_shared>>)
      tpu.yield
    }) : () -> ()
    %barrier3A = arith.constant 0 : index
    tpu.barrier barrier_id(%barrier3A)
    %scan3A = arith.constant 0 : i32
    %scan3A_5 = arith.constant 0 : i32
    %scan3A_6 = arith.constant 79 : i32
    %scan3A_7 = arith.addi %scan3A_5, %scan3A_6 : i32
    %scan3A_8 = arith.constant 1 : i32
    scf.for %scan3A_18 = %scan3A_5 to %scan3A_7 step %scan3A_8  : i32 {
      %add3A_19 = arith.addi %mul3A_2, %scan3A_18 : i32
      "tpu.region"() ({
        %run_scoped3A_38 = tpu.sem_alloc : memref<!tpu.dma_semaphore, #tpu.memory_space<semaphore_mem>>
        %dma_start3A_39 = arith.constant 0 : i32
        %dma_start3A_40 = arith.constant 0 : i32
        %dma_start3A_41 = tpu.memref_slice %arg4[%add3A_19, %dma_start3A_39, %dma_start3A_40] : memref<2528x2x128xi32, #tpu.memory_space<hbm>> -> memref<1x2x128xi32, #tpu.memory_space<hbm>>
        %dma_start3A_42 = tpu.memref_squeeze %dma_start3A_41 : memref<1x2x128xi32, #tpu.memory_space<hbm>> -> memref<2x128xi32, #tpu.memory_space<hbm>>
        %dma_start3A_43 = arith.constant 0 : i32
        %dma_start3A_44 = arith.constant 0 : i32
        %dma_start3A_45 = tpu.memref_slice %arg4[%add3A_19, %dma_start3A_43, %dma_start3A_44] : memref<2528x2x128xi32, #tpu.memory_space<hbm>> -> memref<1x2x128xi32, #tpu.memory_space<hbm>>
        %dma_start3A_46 = tpu.memref_squeeze %dma_start3A_45 : memref<1x2x128xi32, #tpu.memory_space<hbm>> -> memref<2x128xi32, #tpu.memory_space<hbm>>
        tpu.enqueue_dma source(%dma_start3A_46 : memref<2x128xi32, #tpu.memory_space<hbm>>) target(%arg8 : memref<2x128xi32, #tpu.memory_space<vmem>>) target_semaphore(%run_scoped3A_38 : memref<!tpu.dma_semaphore, #tpu.memory_space<semaphore_mem>>)
        %dma_wait3A_47 = arith.constant 0 : i32
        %dma_wait3A_48 = arith.constant 0 : i32
        %dma_wait3A_49 = tpu.memref_slice %arg4[%add3A_19, %dma_wait3A_47, %dma_wait3A_48] : memref<2528x2x128xi32, #tpu.memory_space<hbm>> -> memref<1x2x128xi32, #tpu.memory_space<hbm>>
        %dma_wait3A_50 = tpu.memref_squeeze %dma_wait3A_49 : memref<1x2x128xi32, #tpu.memory_space<hbm>> -> memref<2x128xi32, #tpu.memory_space<hbm>>
        %dma_wait3A_51 = arith.constant 0 : i32
        %dma_wait3A_52 = arith.constant 0 : i32
        %dma_wait3A_53 = tpu.memref_slice %arg4[%add3A_19, %dma_wait3A_51, %dma_wait3A_52] : memref<2528x2x128xi32, #tpu.memory_space<hbm>> -> memref<1x2x128xi32, #tpu.memory_space<hbm>>
        %dma_wait3A_54 = tpu.memref_squeeze %dma_wait3A_53 : memref<1x2x128xi32, #tpu.memory_space<hbm>> -> memref<2x128xi32, #tpu.memory_space<hbm>>
        tpu.wait_dma2 semaphore(%run_scoped3A_38 : memref<!tpu.dma_semaphore, #tpu.memory_space<semaphore_mem>>) src(%dma_wait3A_54 : memref<2x128xi32, #tpu.memory_space<hbm>>) dst(%arg8 : memref<2x128xi32, #tpu.memory_space<vmem>>)
        tpu.yield
      }) : () -> ()
      "tpu.region"() ({
        %run_scoped3A_38 = tpu.sem_alloc : memref<!tpu.dma_semaphore, #tpu.memory_space<semaphore_mem>>
        %dma_start3A_39 = arith.constant 0 : i32
        %dma_start3A_40 = arith.constant 0 : i32
        %dma_start3A_41 = tpu.memref_slice %arg3[%add3A_19, %dma_start3A_39, %dma_start3A_40] : memref<2528x128x128xf32, #tpu.memory_space<hbm>> -> memref<1x128x128xf32, #tpu.memory_space<hbm>>
        %dma_start3A_42 = tpu.memref_squeeze %dma_start3A_41 : memref<1x128x128xf32, #tpu.memory_space<hbm>> -> memref<128x128xf32, #tpu.memory_space<hbm>>
        %dma_start3A_43 = arith.constant 0 : i32
        %dma_start3A_44 = arith.constant 0 : i32
        %dma_start3A_45 = tpu.memref_slice %arg3[%add3A_19, %dma_start3A_43, %dma_start3A_44] : memref<2528x128x128xf32, #tpu.memory_space<hbm>> -> memref<1x128x128xf32, #tpu.memory_space<hbm>>
        %dma_start3A_46 = tpu.memref_squeeze %dma_start3A_45 : memref<1x128x128xf32, #tpu.memory_space<hbm>> -> memref<128x128xf32, #tpu.memory_space<hbm>>
        tpu.enqueue_dma source(%dma_start3A_46 : memref<128x128xf32, #tpu.memory_space<hbm>>) target(%arg9 : memref<128x128xf32, #tpu.memory_space<vmem>>) target_semaphore(%run_scoped3A_38 : memref<!tpu.dma_semaphore, #tpu.memory_space<semaphore_mem>>)
        %dma_wait3A_47 = arith.constant 0 : i32
        %dma_wait3A_48 = arith.constant 0 : i32
        %dma_wait3A_49 = tpu.memref_slice %arg3[%add3A_19, %dma_wait3A_47, %dma_wait3A_48] : memref<2528x128x128xf32, #tpu.memory_space<hbm>> -> memref<1x128x128xf32, #tpu.memory_space<hbm>>
        %dma_wait3A_50 = tpu.memref_squeeze %dma_wait3A_49 : memref<1x128x128xf32, #tpu.memory_space<hbm>> -> memref<128x128xf32, #tpu.memory_space<hbm>>
        %dma_wait3A_51 = arith.constant 0 : i32
        %dma_wait3A_52 = arith.constant 0 : i32
        %dma_wait3A_53 = tpu.memref_slice %arg3[%add3A_19, %dma_wait3A_51, %dma_wait3A_52] : memref<2528x128x128xf32, #tpu.memory_space<hbm>> -> memref<1x128x128xf32, #tpu.memory_space<hbm>>
        %dma_wait3A_54 = tpu.memref_squeeze %dma_wait3A_53 : memref<1x128x128xf32, #tpu.memory_space<hbm>> -> memref<128x128xf32, #tpu.memory_space<hbm>>
        tpu.wait_dma2 semaphore(%run_scoped3A_38 : memref<!tpu.dma_semaphore, #tpu.memory_space<semaphore_mem>>) src(%dma_wait3A_54 : memref<128x128xf32, #tpu.memory_space<hbm>>) dst(%arg9 : memref<128x128xf32, #tpu.memory_space<vmem>>)
        tpu.yield
      }) : () -> ()
      %dma_start3A = arith.constant 0 : i32
      %dma_start3A_20 = arith.constant 0 : i32
      %dma_start3A_21 = tpu.memref_slice %arg8[%dma_start3A, %dma_start3A_20] : memref<2x128xi32, #tpu.memory_space<vmem>> -> memref<1x128xi32, #tpu.memory_space<vmem>>
      %dma_start3A_22 = tpu.memref_squeeze %dma_start3A_21 : memref<1x128xi32, #tpu.memory_space<vmem>> -> memref<128xi32, #tpu.memory_space<vmem>>
      %dma_start3A_23 = arith.constant 0 : i32
      %dma_start3A_24 = arith.constant 0 : i32
      %dma_start3A_25 = tpu.memref_slice %arg2[%dma_start3A_23, %dma_start3A_24] : memref<10240x128xf32, #tpu.memory_space<hbm>> -> memref<10240x128xf32, #tpu.memory_space<hbm>>
      tpu.enqueue_indirect_dma source(%dma_start3A_25 : memref<10240x128xf32, #tpu.memory_space<hbm>>) target(%arg9 : memref<128x128xf32, #tpu.memory_space<vmem>>) offsets(%dma_start3A_22 : memref<128xi32, #tpu.memory_space<vmem>>) semaphore(%arg11 : memref<!tpu.dma_semaphore, #tpu.memory_space<semaphore_mem>>) {add = true}
      %dma_wait3A = arith.constant 0 : i32
      %dma_wait3A_26 = arith.constant 0 : i32
      %dma_wait3A_27 = tpu.memref_slice %arg8[%dma_wait3A, %dma_wait3A_26] : memref<2x128xi32, #tpu.memory_space<vmem>> -> memref<1x128xi32, #tpu.memory_space<vmem>>
      %dma_wait3A_28 = tpu.memref_squeeze %dma_wait3A_27 : memref<1x128xi32, #tpu.memory_space<vmem>> -> memref<128xi32, #tpu.memory_space<vmem>>
      %dma_wait3A_29 = arith.constant 0 : i32
      %dma_wait3A_30 = arith.constant 0 : i32
      %dma_wait3A_31 = tpu.memref_slice %arg2[%dma_wait3A_29, %dma_wait3A_30] : memref<10240x128xf32, #tpu.memory_space<hbm>> -> memref<10240x128xf32, #tpu.memory_space<hbm>>
      tpu.wait_indirect_dma semaphore(%arg11 : memref<!tpu.dma_semaphore, #tpu.memory_space<semaphore_mem>>) src(%dma_wait3A_31 : memref<10240x128xf32, #tpu.memory_space<hbm>>) dst(%arg9 : memref<128x128xf32, #tpu.memory_space<vmem>>)
      %scan3A_32 = arith.constant 0 : i32
      %scan3A_33 = arith.constant 0 : i32
      %scan3A_34 = arith.constant 128 : i32
      %scan3A_35 = arith.addi %scan3A_33, %scan3A_34 : i32
      %scan3A_36 = arith.constant 2 : i32
      scf.for %scan3A_38 = %scan3A_33 to %scan3A_35 step %scan3A_36  : i32 {
        %get3A = arith.index_cast %scan3A_38 : i32 to index
        %get3A_39 = arith.constant 0 : index
        %get3A_40 = tpu.vector_load %arg9[%get3A, %get3A_39] {strides = array<i32>} : memref<128x128xf32, #tpu.memory_space<vmem>>, vector<1x16xf32>,
        %get3A_41 = vector.shape_cast %get3A_40 : vector<1x16xf32> to vector<16xf32>
        %max3A = arith.constant 0.000000e+00 : f32
        %max3A_42 = vector.broadcast %max3A : f32 to vector<16xf32>
        %max3A_43 = arith.maximumf %get3A_41, %max3A_42 : vector<16xf32>
        %swap3A = arith.index_cast %scan3A_38 : i32 to index
        %swap3A_44 = arith.constant 0 : index
        %swap3A_45 = tpu.vector_load %arg9[%swap3A, %swap3A_44] {strides = array<i32>} : memref<128x128xf32, #tpu.memory_space<vmem>>, vector<1x16xf32>,
        %swap3A_46 = vector.shape_cast %swap3A_45 : vector<1x16xf32> to vector<16xf32>
        %swap3A_47 = vector.shape_cast %max3A_43 : vector<16xf32> to vector<1x16xf32>
        tpu.vector_store %arg9[%swap3A, %swap3A_44], %swap3A_47 {strides = array<i32>} : memref<128x128xf32, #tpu.memory_space<vmem>>, vector<1x16xf32>,
        %get3A_48 = arith.index_cast %scan3A_38 : i32 to index
        %get3A_49 = arith.constant 16 : index
        %get3A_50 = tpu.vector_load %arg9[%get3A_48, %get3A_49] {strides = array<i32>} : memref<128x128xf32, #tpu.memory_space<vmem>>, vector<1x16xf32>,
        %get3A_51 = vector.shape_cast %get3A_50 : vector<1x16xf32> to vector<16xf32>
        %max3A_52 = arith.constant 0.000000e+00 : f32
        %max3A_53 = vector.broadcast %max3A_52 : f32 to vector<16xf32>
        %max3A_54 = arith.maximumf %get3A_51, %max3A_53 : vector<16xf32>
        %swap3A_55 = arith.index_cast %scan3A_38 : i32 to index
        %swap3A_56 = arith.constant 16 : index
        %swap3A_57 = tpu.vector_load %arg9[%swap3A_55, %swap3A_56] {strides = array<i32>} : memref<128x128xf32, #tpu.memory_space<vmem>>, vector<1x16xf32>,
        %swap3A_58 = vector.shape_cast %swap3A_57 : vector<1x16xf32> to vector<16xf32>
        %swap3A_59 = vector.shape_cast %max3A_54 : vector<16xf32> to vector<1x16xf32>
        tpu.vector_store %arg9[%swap3A_55, %swap3A_56], %swap3A_59 {strides = array<i32>} : memref<128x128xf32, #tpu.memory_space<vmem>>, vector<1x16xf32>,
        %get3A_60 = arith.index_cast %scan3A_38 : i32 to index
        %get3A_61 = arith.constant 32 : index
        %get3A_62 = tpu.vector_load %arg9[%get3A_60, %get3A_61] {strides = array<i32>} : memref<128x128xf32, #tpu.memory_space<vmem>>, vector<1x16xf32>,
        %get3A_63 = vector.shape_cast %get3A_62 : vector<1x16xf32> to vector<16xf32>
        %max3A_64 = arith.constant 0.000000e+00 : f32
        %max3A_65 = vector.broadcast %max3A_64 : f32 to vector<16xf32>
        %max3A_66 = arith.maximumf %get3A_63, %max3A_65 : vector<16xf32>
        %swap3A_67 = arith.index_cast %scan3A_38 : i32 to index
        %swap3A_68 = arith.constant 32 : index
        %swap3A_69 = tpu.vector_load %arg9[%swap3A_67, %swap3A_68] {strides = array<i32>} : memref<128x128xf32, #tpu.memory_space<vmem>>, vector<1x16xf32>,
        %swap3A_70 = vector.shape_cast %swap3A_69 : vector<1x16xf32> to vector<16xf32>
        %swap3A_71 = vector.shape_cast %max3A_66 : vector<16xf32> to vector<1x16xf32>
        tpu.vector_store %arg9[%swap3A_67, %swap3A_68], %swap3A_71 {strides = array<i32>} : memref<128x128xf32, #tpu.memory_space<vmem>>, vector<1x16xf32>,
        %get3A_72 = arith.index_cast %scan3A_38 : i32 to index
        %get3A_73 = arith.constant 48 : index
        %get3A_74 = tpu.vector_load %arg9[%get3A_72, %get3A_73] {strides = array<i32>} : memref<128x128xf32, #tpu.memory_space<vmem>>, vector<1x16xf32>,
        %get3A_75 = vector.shape_cast %get3A_74 : vector<1x16xf32> to vector<16xf32>
        %max3A_76 = arith.constant 0.000000e+00 : f32
        %max3A_77 = vector.broadcast %max3A_76 : f32 to vector<16xf32>
        %max3A_78 = arith.maximumf %get3A_75, %max3A_77 : vector<16xf32>
        %swap3A_79 = arith.index_cast %scan3A_38 : i32 to index
        %swap3A_80 = arith.constant 48 : index
        %swap3A_81 = tpu.vector_load %arg9[%swap3A_79, %swap3A_80] {strides = array<i32>} : memref<128x128xf32, #tpu.memory_space<vmem>>, vector<1x16xf32>,
        %swap3A_82 = vector.shape_cast %swap3A_81 : vector<1x16xf32> to vector<16xf32>
        %swap3A_83 = vector.shape_cast %max3A_78 : vector<16xf32> to vector<1x16xf32>
        tpu.vector_store %arg9[%swap3A_79, %swap3A_80], %swap3A_83 {strides = array<i32>} : memref<128x128xf32, #tpu.memory_space<vmem>>, vector<1x16xf32>,
        %get3A_84 = arith.index_cast %scan3A_38 : i32 to index
        %get3A_85 = arith.constant 64 : index
        %get3A_86 = tpu.vector_load %arg9[%get3A_84, %get3A_85] {strides = array<i32>} : memref<128x128xf32, #tpu.memory_space<vmem>>, vector<1x16xf32>,
        %get3A_87 = vector.shape_cast %get3A_86 : vector<1x16xf32> to vector<16xf32>
        %max3A_88 = arith.constant 0.000000e+00 : f32
        %max3A_89 = vector.broadcast %max3A_88 : f32 to vector<16xf32>
        %max3A_90 = arith.maximumf %get3A_87, %max3A_89 : vector<16xf32>
        %swap3A_91 = arith.index_cast %scan3A_38 : i32 to index
        %swap3A_92 = arith.constant 64 : index
        %swap3A_93 = tpu.vector_load %arg9[%swap3A_91, %swap3A_92] {strides = array<i32>} : memref<128x128xf32, #tpu.memory_space<vmem>>, vector<1x16xf32>,
        %swap3A_94 = vector.shape_cast %swap3A_93 : vector<1x16xf32> to vector<16xf32>
        %swap3A_95 = vector.shape_cast %max3A_90 : vector<16xf32> to vector<1x16xf32>
        tpu.vector_store %arg9[%swap3A_91, %swap3A_92], %swap3A_95 {strides = array<i32>} : memref<128x128xf32, #tpu.memory_space<vmem>>, vector<1x16xf32>,
        %get3A_96 = arith.index_cast %scan3A_38 : i32 to index
        %get3A_97 = arith.constant 80 : index
        %get3A_98 = tpu.vector_load %arg9[%get3A_96, %get3A_97] {strides = array<i32>} : memref<128x128xf32, #tpu.memory_space<vmem>>, vector<1x16xf32>,
        %get3A_99 = vector.shape_cast %get3A_98 : vector<1x16xf32> to vector<16xf32>
        %max3A_100 = arith.constant 0.000000e+00 : f32
        %max3A_101 = vector.broadcast %max3A_100 : f32 to vector<16xf32>
        %max3A_102 = arith.maximumf %get3A_99, %max3A_101 : vector<16xf32>
        %swap3A_103 = arith.index_cast %scan3A_38 : i32 to index
        %swap3A_104 = arith.constant 80 : index
        %swap3A_105 = tpu.vector_load %arg9[%swap3A_103, %swap3A_104] {strides = array<i32>} : memref<128x128xf32, #tpu.memory_space<vmem>>, vector<1x16xf32>,
        %swap3A_106 = vector.shape_cast %swap3A_105 : vector<1x16xf32> to vector<16xf32>
        %swap3A_107 = vector.shape_cast %max3A_102 : vector<16xf32> to vector<1x16xf32>
        tpu.vector_store %arg9[%swap3A_103, %swap3A_104], %swap3A_107 {strides = array<i32>} : memref<128x128xf32, #tpu.memory_space<vmem>>, vector<1x16xf32>,
        %get3A_108 = arith.index_cast %scan3A_38 : i32 to index
        %get3A_109 = arith.constant 96 : index
        %get3A_110 = tpu.vector_load %arg9[%get3A_108, %get3A_109] {strides = array<i32>} : memref<128x128xf32, #tpu.memory_space<vmem>>, vector<1x16xf32>,
        %get3A_111 = vector.shape_cast %get3A_110 : vector<1x16xf32> to vector<16xf32>
        %max3A_112 = arith.constant 0.000000e+00 : f32
        %max3A_113 = vector.broadcast %max3A_112 : f32 to vector<16xf32>
        %max3A_114 = arith.maximumf %get3A_111, %max3A_113 : vector<16xf32>
        %swap3A_115 = arith.index_cast %scan3A_38 : i32 to index
        %swap3A_116 = arith.constant 96 : index
        %swap3A_117 = tpu.vector_load %arg9[%swap3A_115, %swap3A_116] {strides = array<i32>} : memref<128x128xf32, #tpu.memory_space<vmem>>, vector<1x16xf32>,
        %swap3A_118 = vector.shape_cast %swap3A_117 : vector<1x16xf32> to vector<16xf32>
        %swap3A_119 = vector.shape_cast %max3A_114 : vector<16xf32> to vector<1x16xf32>
        tpu.vector_store %arg9[%swap3A_115, %swap3A_116], %swap3A_119 {strides = array<i32>} : memref<128x128xf32, #tpu.memory_space<vmem>>, vector<1x16xf32>,
        %get3A_120 = arith.index_cast %scan3A_38 : i32 to index
        %get3A_121 = arith.constant 112 : index
        %get3A_122 = tpu.vector_load %arg9[%get3A_120, %get3A_121] {strides = array<i32>} : memref<128x128xf32, #tpu.memory_space<vmem>>, vector<1x16xf32>,
        %get3A_123 = vector.shape_cast %get3A_122 : vector<1x16xf32> to vector<16xf32>
        %max3A_124 = arith.constant 0.000000e+00 : f32
        %max3A_125 = vector.broadcast %max3A_124 : f32 to vector<16xf32>
        %max3A_126 = arith.maximumf %get3A_123, %max3A_125 : vector<16xf32>
        %swap3A_127 = arith.index_cast %scan3A_38 : i32 to index
        %swap3A_128 = arith.constant 112 : index
        %swap3A_129 = tpu.vector_load %arg9[%swap3A_127, %swap3A_128] {strides = array<i32>} : memref<128x128xf32, #tpu.memory_space<vmem>>, vector<1x16xf32>,
        %swap3A_130 = vector.shape_cast %swap3A_129 : vector<1x16xf32> to vector<16xf32>
        %swap3A_131 = vector.shape_cast %max3A_126 : vector<16xf32> to vector<1x16xf32>
        tpu.vector_store %arg9[%swap3A_127, %swap3A_128], %swap3A_131 {strides = array<i32>} : memref<128x128xf32, #tpu.memory_space<vmem>>, vector<1x16xf32>,
        %scan3A_132 = arith.constant 1 : i32
        %scan3A_133 = arith.addi %scan3A_38, %scan3A_132 : i32
        %get3A_134 = arith.index_cast %scan3A_133 : i32 to index
        %get3A_135 = arith.constant 0 : index
        %get3A_136 = tpu.vector_load %arg9[%get3A_134, %get3A_135] {strides = array<i32>} : memref<128x128xf32, #tpu.memory_space<vmem>>, vector<1x16xf32>,
        %get3A_137 = vector.shape_cast %get3A_136 : vector<1x16xf32> to vector<16xf32>
        %max3A_138 = arith.constant 0.000000e+00 : f32
        %max3A_139 = vector.broadcast %max3A_138 : f32 to vector<16xf32>
        %max3A_140 = arith.maximumf %get3A_137, %max3A_139 : vector<16xf32>
        %swap3A_141 = arith.index_cast %scan3A_133 : i32 to index
        %swap3A_142 = arith.constant 0 : index
        %swap3A_143 = tpu.vector_load %arg9[%swap3A_141, %swap3A_142] {strides = array<i32>} : memref<128x128xf32, #tpu.memory_space<vmem>>, vector<1x16xf32>,
        %swap3A_144 = vector.shape_cast %swap3A_143 : vector<1x16xf32> to vector<16xf32>
        %swap3A_145 = vector.shape_cast %max3A_140 : vector<16xf32> to vector<1x16xf32>
        tpu.vector_store %arg9[%swap3A_141, %swap3A_142], %swap3A_145 {strides = array<i32>} : memref<128x128xf32, #tpu.memory_space<vmem>>, vector<1x16xf32>,
        %get3A_146 = arith.index_cast %scan3A_133 : i32 to index
        %get3A_147 = arith.constant 16 : index
        %get3A_148 = tpu.vector_load %arg9[%get3A_146, %get3A_147] {strides = array<i32>} : memref<128x128xf32, #tpu.memory_space<vmem>>, vector<1x16xf32>,
        %get3A_149 = vector.shape_cast %get3A_148 : vector<1x16xf32> to vector<16xf32>
        %max3A_150 = arith.constant 0.000000e+00 : f32
        %max3A_151 = vector.broadcast %max3A_150 : f32 to vector<16xf32>
        %max3A_152 = arith.maximumf %get3A_149, %max3A_151 : vector<16xf32>
        %swap3A_153 = arith.index_cast %scan3A_133 : i32 to index
        %swap3A_154 = arith.constant 16 : index
        %swap3A_155 = tpu.vector_load %arg9[%swap3A_153, %swap3A_154] {strides = array<i32>} : memref<128x128xf32, #tpu.memory_space<vmem>>, vector<1x16xf32>,
        %swap3A_156 = vector.shape_cast %swap3A_155 : vector<1x16xf32> to vector<16xf32>
        %swap3A_157 = vector.shape_cast %max3A_152 : vector<16xf32> to vector<1x16xf32>
        tpu.vector_store %arg9[%swap3A_153, %swap3A_154], %swap3A_157 {strides = array<i32>} : memref<128x128xf32, #tpu.memory_space<vmem>>, vector<1x16xf32>,
        %get3A_158 = arith.index_cast %scan3A_133 : i32 to index
        %get3A_159 = arith.constant 32 : index
        %get3A_160 = tpu.vector_load %arg9[%get3A_158, %get3A_159] {strides = array<i32>} : memref<128x128xf32, #tpu.memory_space<vmem>>, vector<1x16xf32>,
        %get3A_161 = vector.shape_cast %get3A_160 : vector<1x16xf32> to vector<16xf32>
        %max3A_162 = arith.constant 0.000000e+00 : f32
        %max3A_163 = vector.broadcast %max3A_162 : f32 to vector<16xf32>
        %max3A_164 = arith.maximumf %get3A_161, %max3A_163 : vector<16xf32>
        %swap3A_165 = arith.index_cast %scan3A_133 : i32 to index
        %swap3A_166 = arith.constant 32 : index
        %swap3A_167 = tpu.vector_load %arg9[%swap3A_165, %swap3A_166] {strides = array<i32>} : memref<128x128xf32, #tpu.memory_space<vmem>>, vector<1x16xf32>,
        %swap3A_168 = vector.shape_cast %swap3A_167 : vector<1x16xf32> to vector<16xf32>
        %swap3A_169 = vector.shape_cast %max3A_164 : vector<16xf32> to vector<1x16xf32>
        tpu.vector_store %arg9[%swap3A_165, %swap3A_166], %swap3A_169 {strides = array<i32>} : memref<128x128xf32, #tpu.memory_space<vmem>>, vector<1x16xf32>,
        %get3A_170 = arith.index_cast %scan3A_133 : i32 to index
        %get3A_171 = arith.constant 48 : index
        %get3A_172 = tpu.vector_load %arg9[%get3A_170, %get3A_171] {strides = array<i32>} : memref<128x128xf32, #tpu.memory_space<vmem>>, vector<1x16xf32>,
        %get3A_173 = vector.shape_cast %get3A_172 : vector<1x16xf32> to vector<16xf32>
        %max3A_174 = arith.constant 0.000000e+00 : f32
        %max3A_175 = vector.broadcast %max3A_174 : f32 to vector<16xf32>
        %max3A_176 = arith.maximumf %get3A_173, %max3A_175 : vector<16xf32>
        %swap3A_177 = arith.index_cast %scan3A_133 : i32 to index
        %swap3A_178 = arith.constant 48 : index
        %swap3A_179 = tpu.vector_load %arg9[%swap3A_177, %swap3A_178] {strides = array<i32>} : memref<128x128xf32, #tpu.memory_space<vmem>>, vector<1x16xf32>,
        %swap3A_180 = vector.shape_cast %swap3A_179 : vector<1x16xf32> to vector<16xf32>
        %swap3A_181 = vector.shape_cast %max3A_176 : vector<16xf32> to vector<1x16xf32>
        tpu.vector_store %arg9[%swap3A_177, %swap3A_178], %swap3A_181 {strides = array<i32>} : memref<128x128xf32, #tpu.memory_space<vmem>>, vector<1x16xf32>,
        %get3A_182 = arith.index_cast %scan3A_133 : i32 to index
        %get3A_183 = arith.constant 64 : index
        %get3A_184 = tpu.vector_load %arg9[%get3A_182, %get3A_183] {strides = array<i32>} : memref<128x128xf32, #tpu.memory_space<vmem>>, vector<1x16xf32>,
        %get3A_185 = vector.shape_cast %get3A_184 : vector<1x16xf32> to vector<16xf32>
        %max3A_186 = arith.constant 0.000000e+00 : f32
        %max3A_187 = vector.broadcast %max3A_186 : f32 to vector<16xf32>
        %max3A_188 = arith.maximumf %get3A_185, %max3A_187 : vector<16xf32>
        %swap3A_189 = arith.index_cast %scan3A_133 : i32 to index
        %swap3A_190 = arith.constant 64 : index
        %swap3A_191 = tpu.vector_load %arg9[%swap3A_189, %swap3A_190] {strides = array<i32>} : memref<128x128xf32, #tpu.memory_space<vmem>>, vector<1x16xf32>,
        %swap3A_192 = vector.shape_cast %swap3A_191 : vector<1x16xf32> to vector<16xf32>
        %swap3A_193 = vector.shape_cast %max3A_188 : vector<16xf32> to vector<1x16xf32>
        tpu.vector_store %arg9[%swap3A_189, %swap3A_190], %swap3A_193 {strides = array<i32>} : memref<128x128xf32, #tpu.memory_space<vmem>>, vector<1x16xf32>,
        %get3A_194 = arith.index_cast %scan3A_133 : i32 to index
        %get3A_195 = arith.constant 80 : index
        %get3A_196 = tpu.vector_load %arg9[%get3A_194, %get3A_195] {strides = array<i32>} : memref<128x128xf32, #tpu.memory_space<vmem>>, vector<1x16xf32>,
        %get3A_197 = vector.shape_cast %get3A_196 : vector<1x16xf32> to vector<16xf32>
        %max3A_198 = arith.constant 0.000000e+00 : f32
        %max3A_199 = vector.broadcast %max3A_198 : f32 to vector<16xf32>
        %max3A_200 = arith.maximumf %get3A_197, %max3A_199 : vector<16xf32>
        %swap3A_201 = arith.index_cast %scan3A_133 : i32 to index
        %swap3A_202 = arith.constant 80 : index
        %swap3A_203 = tpu.vector_load %arg9[%swap3A_201, %swap3A_202] {strides = array<i32>} : memref<128x128xf32, #tpu.memory_space<vmem>>, vector<1x16xf32>,
        %swap3A_204 = vector.shape_cast %swap3A_203 : vector<1x16xf32> to vector<16xf32>
        %swap3A_205 = vector.shape_cast %max3A_200 : vector<16xf32> to vector<1x16xf32>
        tpu.vector_store %arg9[%swap3A_201, %swap3A_202], %swap3A_205 {strides = array<i32>} : memref<128x128xf32, #tpu.memory_space<vmem>>, vector<1x16xf32>,
        %get3A_206 = arith.index_cast %scan3A_133 : i32 to index
        %get3A_207 = arith.constant 96 : index
        %get3A_208 = tpu.vector_load %arg9[%get3A_206, %get3A_207] {strides = array<i32>} : memref<128x128xf32, #tpu.memory_space<vmem>>, vector<1x16xf32>,
        %get3A_209 = vector.shape_cast %get3A_208 : vector<1x16xf32> to vector<16xf32>
        %max3A_210 = arith.constant 0.000000e+00 : f32
        %max3A_211 = vector.broadcast %max3A_210 : f32 to vector<16xf32>
        %max3A_212 = arith.maximumf %get3A_209, %max3A_211 : vector<16xf32>
        %swap3A_213 = arith.index_cast %scan3A_133 : i32 to index
        %swap3A_214 = arith.constant 96 : index
        %swap3A_215 = tpu.vector_load %arg9[%swap3A_213, %swap3A_214] {strides = array<i32>} : memref<128x128xf32, #tpu.memory_space<vmem>>, vector<1x16xf32>,
        %swap3A_216 = vector.shape_cast %swap3A_215 : vector<1x16xf32> to vector<16xf32>
        %swap3A_217 = vector.shape_cast %max3A_212 : vector<16xf32> to vector<1x16xf32>
        tpu.vector_store %arg9[%swap3A_213, %swap3A_214], %swap3A_217 {strides = array<i32>} : memref<128x128xf32, #tpu.memory_space<vmem>>, vector<1x16xf32>,
        %get3A_218 = arith.index_cast %scan3A_133 : i32 to index
        %get3A_219 = arith.constant 112 : index
        %get3A_220 = tpu.vector_load %arg9[%get3A_218, %get3A_219] {strides = array<i32>} : memref<128x128xf32, #tpu.memory_space<vmem>>, vector<1x16xf32>,
        %get3A_221 = vector.shape_cast %get3A_220 : vector<1x16xf32> to vector<16xf32>
        %max3A_222 = arith.constant 0.000000e+00 : f32
        %max3A_223 = vector.broadcast %max3A_222 : f32 to vector<16xf32>
        %max3A_224 = arith.maximumf %get3A_221, %max3A_223 : vector<16xf32>
        %swap3A_225 = arith.index_cast %scan3A_133 : i32 to index
        %swap3A_226 = arith.constant 112 : index
        %swap3A_227 = tpu.vector_load %arg9[%swap3A_225, %swap3A_226] {strides = array<i32>} : memref<128x128xf32, #tpu.memory_space<vmem>>, vector<1x16xf32>,
        %swap3A_228 = vector.shape_cast %swap3A_227 : vector<1x16xf32> to vector<16xf32>
        %swap3A_229 = vector.shape_cast %max3A_224 : vector<16xf32> to vector<1x16xf32>
        tpu.vector_store %arg9[%swap3A_225, %swap3A_226], %swap3A_229 {strides = array<i32>} : memref<128x128xf32, #tpu.memory_space<vmem>>, vector<1x16xf32>,
      }
      %scan3A_37 = arith.constant 128 : i32
      %run_scoped3A = arith.constant 1 : i32
      "tpu.region"() ({
        %run_scoped3A_38 = tpu.sem_alloc : memref<!tpu.dma_semaphore, #tpu.memory_space<semaphore_mem>>
        %dma_start3A_39 = arith.constant 0 : i32
        %dma_start3A_40 = tpu.memref_slice %arg8[%run_scoped3A, %dma_start3A_39] : memref<2x128xi32, #tpu.memory_space<vmem>> -> memref<1x128xi32, #tpu.memory_space<vmem>>
        %dma_start3A_41 = tpu.memref_squeeze %dma_start3A_40 : memref<1x128xi32, #tpu.memory_space<vmem>> -> memref<128xi32, #tpu.memory_space<vmem>>
        %dma_start3A_42 = arith.constant 0 : i32
        %dma_start3A_43 = arith.constant 0 : i32
        %dma_start3A_44 = tpu.memref_slice %arg10[%dma_start3A_42, %dma_start3A_43] : memref<10240x128xf32, #tpu.memory_space<vmem_shared>> -> memref<10240x128xf32, #tpu.memory_space<vmem_shared>>
        tpu.enqueue_indirect_dma source(%arg9 : memref<128x128xf32, #tpu.memory_space<vmem>>) target(%dma_start3A_44 : memref<10240x128xf32, #tpu.memory_space<vmem_shared>>) offsets(%dma_start3A_41 : memref<128xi32, #tpu.memory_space<vmem>>) semaphore(%run_scoped3A_38 : memref<!tpu.dma_semaphore, #tpu.memory_space<semaphore_mem>>) {add = true}
        %dma_wait3A_45 = arith.constant 0 : i32
        %dma_wait3A_46 = tpu.memref_slice %arg8[%run_scoped3A, %dma_wait3A_45] : memref<2x128xi32, #tpu.memory_space<vmem>> -> memref<1x128xi32, #tpu.memory_space<vmem>>
        %dma_wait3A_47 = tpu.memref_squeeze %dma_wait3A_46 : memref<1x128xi32, #tpu.memory_space<vmem>> -> memref<128xi32, #tpu.memory_space<vmem>>
        %dma_wait3A_48 = arith.constant 0 : i32
        %dma_wait3A_49 = arith.constant 0 : i32
        %dma_wait3A_50 = tpu.memref_slice %arg10[%dma_wait3A_48, %dma_wait3A_49] : memref<10240x128xf32, #tpu.memory_space<vmem_shared>> -> memref<10240x128xf32, #tpu.memory_space<vmem_shared>>
        tpu.wait_indirect_dma semaphore(%run_scoped3A_38 : memref<!tpu.dma_semaphore, #tpu.memory_space<semaphore_mem>>) src(%arg9 : memref<128x128xf32, #tpu.memory_space<vmem>>) dst(%dma_wait3A_50 : memref<10240x128xf32, #tpu.memory_space<vmem_shared>>)
        tpu.yield
      }) : () -> ()
    }
    %scan3A_9 = arith.constant 79 : i32
    %barrier3A_10 = arith.constant 0 : index
    tpu.barrier barrier_id(%barrier3A_10)
    %eq3A = arith.constant 0 : i32
    %eq3A_11 = arith.cmpi eq, %arg0, %eq3A : i32
    %convert_element_type3A = arith.extui %eq3A_11 : i1 to i32
    %cond3A = arith.constant 0 : i32
    %cond3A_12 = arith.cmpi ne, %convert_element_type3A, %cond3A : i32
    scf.if %cond3A_12 {
      "tpu.region"() ({
        %run_scoped3A = tpu.sem_alloc : memref<!tpu.dma_semaphore, #tpu.memory_space<semaphore_mem>>
        %dma_start3A = arith.constant 0 : i32
        %dma_start3A_18 = tpu.memref_slice %arg6[%mul3A_4, %dma_start3A] : memref<10240x128xf32, #tpu.memory_space<hbm>> -> memref<640x128xf32, #tpu.memory_space<hbm>>
        %dma_start3A_19 = arith.constant 0 : i32
        %dma_start3A_20 = tpu.memref_slice %arg10[%mul3A_4, %dma_start3A_19] : memref<10240x128xf32, #tpu.memory_space<vmem_shared>> -> memref<640x128xf32, #tpu.memory_space<vmem_shared>>
        tpu.enqueue_dma source(%dma_start3A_20 : memref<640x128xf32, #tpu.memory_space<vmem_shared>>) target(%dma_start3A_18 : memref<640x128xf32, #tpu.memory_space<hbm>>) target_semaphore(%run_scoped3A : memref<!tpu.dma_semaphore, #tpu.memory_space<semaphore_mem>>)
        %dma_wait3A = arith.constant 0 : i32
        %dma_wait3A_21 = tpu.memref_slice %arg6[%mul3A_4, %dma_wait3A] : memref<10240x128xf32, #tpu.memory_space<hbm>> -> memref<640x128xf32, #tpu.memory_space<hbm>>
        %dma_wait3A_22 = arith.constant 0 : i32
        %dma_wait3A_23 = tpu.memref_slice %arg10[%mul3A_4, %dma_wait3A_22] : memref<10240x128xf32, #tpu.memory_space<vmem_shared>> -> memref<640x128xf32, #tpu.memory_space<vmem_shared>>
        tpu.wait_dma2 semaphore(%run_scoped3A : memref<!tpu.dma_semaphore, #tpu.memory_space<semaphore_mem>>) src(%dma_wait3A_23 : memref<640x128xf32, #tpu.memory_space<vmem_shared>>) dst(%dma_wait3A_21 : memref<640x128xf32, #tpu.memory_space<hbm>>)
        tpu.yield
      }) : () -> ()
    } else {
    }
    %eq3A_13 = arith.constant 1 : i32
    %eq3A_14 = arith.cmpi eq, %arg0, %eq3A_13 : i32
    %convert_element_type3A_15 = arith.extui %eq3A_14 : i1 to i32
    %cond3A_16 = arith.constant 0 : i32
    %cond3A_17 = arith.cmpi ne, %convert_element_type3A_15, %cond3A_16 : i32
    scf.if %cond3A_17 {
      "tpu.region"() ({
        %run_scoped3A = tpu.sem_alloc : memref<!tpu.dma_semaphore, #tpu.memory_space<semaphore_mem>>
        %dma_start3A = arith.constant 0 : i32
        %dma_start3A_18 = tpu.memref_slice %arg7[%mul3A_4, %dma_start3A] : memref<10240x128xf32, #tpu.memory_space<hbm>> -> memref<640x128xf32, #tpu.memory_space<hbm>>
        %dma_start3A_19 = arith.constant 0 : i32
        %dma_start3A_20 = tpu.memref_slice %arg10[%mul3A_4, %dma_start3A_19] : memref<10240x128xf32, #tpu.memory_space<vmem_shared>> -> memref<640x128xf32, #tpu.memory_space<vmem_shared>>
        tpu.enqueue_dma source(%dma_start3A_20 : memref<640x128xf32, #tpu.memory_space<vmem_shared>>) target(%dma_start3A_18 : memref<640x128xf32, #tpu.memory_space<hbm>>) target_semaphore(%run_scoped3A : memref<!tpu.dma_semaphore, #tpu.memory_space<semaphore_mem>>)
        %dma_wait3A = arith.constant 0 : i32
        %dma_wait3A_21 = tpu.memref_slice %arg7[%mul3A_4, %dma_wait3A] : memref<10240x128xf32, #tpu.memory_space<hbm>> -> memref<640x128xf32, #tpu.memory_space<hbm>>
        %dma_wait3A_22 = arith.constant 0 : i32
        %dma_wait3A_23 = tpu.memref_slice %arg10[%mul3A_4, %dma_wait3A_22] : memref<10240x128xf32, #tpu.memory_space<vmem_shared>> -> memref<640x128xf32, #tpu.memory_space<vmem_shared>>
        tpu.wait_dma2 semaphore(%run_scoped3A : memref<!tpu.dma_semaphore, #tpu.memory_space<semaphore_mem>>) src(%dma_wait3A_23 : memref<640x128xf32, #tpu.memory_space<vmem_shared>>) dst(%dma_wait3A_21 : memref<640x128xf32, #tpu.memory_space<hbm>>)
        tpu.yield
      }) : () -> ()
    } else {
    }
    return
  }
}

#map = affine_map<(d0, d1) -> (0, 0)>
#map1 = affine_map<(d0, d1) -> (0, 0, 0)>
module attributes {stable_mosaic.version = 14 : i64} {
  func.func @_sc_edge_body(%arg0: i32, %arg1: i32, %arg2: memref<10240x128xf32, #tpu.memory_space<hbm>>, %arg3: memref<2528x128x128xf32, #tpu.memory_space<hbm>>, %arg4: memref<2528x2x128xi32, #tpu.memory_space<hbm>>, %arg5: memref<10240x128xf32, #tpu.memory_space<hbm>>, %arg6: memref<10240x128xf32, #tpu.memory_space<hbm>>, %arg7: memref<10240x128xf32, #tpu.memory_space<hbm>>, %arg8: memref<2x128xi32, #tpu.memory_space<vmem>>, %arg9: memref<128x128xf32, #tpu.memory_space<vmem>>, %arg10: memref<10240x128xf32, #tpu.memory_space<vmem_shared>>, %arg11: memref<!tpu.dma_semaphore, #tpu.memory_space<semaphore_mem>>) attributes {dimension_semantics = [#tpu.dimension_semantics<core_parallel>, #tpu.dimension_semantics<subcore_parallel>], iteration_bounds = array<i64: 2, 16>, scalar_prefetch = 0 : i64, scratch_operands = 4 : i64, tpu.core_type = #tpu.core_type<sc_vector_subcore>, window_params = [{transform_indices = #map}, {transform_indices = #map1}, {transform_indices = #map1}, {transform_indices = #map}, {transform_indices = #map}, {transform_indices = #map}]} {
    %mul3A = arith.constant 2 : i32
    %mul3A_0 = arith.muli %arg1, %mul3A : i32
    %add3A = arith.addi %mul3A_0, %arg0 : i32
    %mul3A_1 = arith.constant 79 : i32
    %mul3A_2 = arith.muli %add3A, %mul3A_1 : i32
    %mul3A_3 = arith.constant 640 : i32
    %mul3A_4 = arith.muli %arg1, %mul3A_3 : i32
    "tpu.region"() ({
      %run_scoped3A = tpu.sem_alloc : memref<!tpu.dma_semaphore, #tpu.memory_space<semaphore_mem>>
      %dma_start3A = arith.constant 0 : i32
      %dma_start3A_18 = tpu.memref_slice %arg10[%mul3A_4, %dma_start3A] : memref<10240x128xf32, #tpu.memory_space<vmem_shared>> -> memref<640x128xf32, #tpu.memory_space<vmem_shared>>
      %dma_start3A_19 = arith.constant 0 : i32
      %dma_start3A_20 = tpu.memref_slice %arg5[%mul3A_4, %dma_start3A_19] : memref<10240x128xf32, #tpu.memory_space<hbm>> -> memref<640x128xf32, #tpu.memory_space<hbm>>
      tpu.enqueue_dma source(%dma_start3A_20 : memref<640x128xf32, #tpu.memory_space<hbm>>) target(%dma_start3A_18 : memref<640x128xf32, #tpu.memory_space<vmem_shared>>) target_semaphore(%run_scoped3A : memref<!tpu.dma_semaphore, #tpu.memory_space<semaphore_mem>>)
      %dma_wait3A = arith.constant 0 : i32
      %dma_wait3A_21 = tpu.memref_slice %arg10[%mul3A_4, %dma_wait3A] : memref<10240x128xf32, #tpu.memory_space<vmem_shared>> -> memref<640x128xf32, #tpu.memory_space<vmem_shared>>
      %dma_wait3A_22 = arith.constant 0 : i32
      %dma_wait3A_23 = tpu.memref_slice %arg5[%mul3A_4, %dma_wait3A_22] : memref<10240x128xf32, #tpu.memory_space<hbm>> -> memref<640x128xf32, #tpu.memory_space<hbm>>
      tpu.wait_dma2 semaphore(%run_scoped3A : memref<!tpu.dma_semaphore, #tpu.memory_space<semaphore_mem>>) src(%dma_wait3A_23 : memref<640x128xf32, #tpu.memory_space<hbm>>) dst(%dma_wait3A_21 : memref<640x128xf32, #tpu.memory_space<vmem_shared>>)
      tpu.yield
    }) : () -> ()
    %barrier3A = arith.constant 0 : index
    tpu.barrier barrier_id(%barrier3A)
    %scan3A = arith.constant 0 : i32
    %scan3A_5 = arith.constant 0 : i32
    %scan3A_6 = arith.constant 79 : i32
    %scan3A_7 = arith.addi %scan3A_5, %scan3A_6 : i32
    %scan3A_8 = arith.constant 1 : i32
    scf.for %scan3A_18 = %scan3A_5 to %scan3A_7 step %scan3A_8  : i32 {
      %add3A_19 = arith.addi %mul3A_2, %scan3A_18 : i32
      "tpu.region"() ({
        %run_scoped3A_38 = tpu.sem_alloc : memref<!tpu.dma_semaphore, #tpu.memory_space<semaphore_mem>>
        %dma_start3A_39 = arith.constant 0 : i32
        %dma_start3A_40 = arith.constant 0 : i32
        %dma_start3A_41 = tpu.memref_slice %arg4[%add3A_19, %dma_start3A_39, %dma_start3A_40] : memref<2528x2x128xi32, #tpu.memory_space<hbm>> -> memref<1x2x128xi32, #tpu.memory_space<hbm>>
        %dma_start3A_42 = tpu.memref_squeeze %dma_start3A_41 : memref<1x2x128xi32, #tpu.memory_space<hbm>> -> memref<2x128xi32, #tpu.memory_space<hbm>>
        %dma_start3A_43 = arith.constant 0 : i32
        %dma_start3A_44 = arith.constant 0 : i32
        %dma_start3A_45 = tpu.memref_slice %arg4[%add3A_19, %dma_start3A_43, %dma_start3A_44] : memref<2528x2x128xi32, #tpu.memory_space<hbm>> -> memref<1x2x128xi32, #tpu.memory_space<hbm>>
        %dma_start3A_46 = tpu.memref_squeeze %dma_start3A_45 : memref<1x2x128xi32, #tpu.memory_space<hbm>> -> memref<2x128xi32, #tpu.memory_space<hbm>>
        tpu.enqueue_dma source(%dma_start3A_46 : memref<2x128xi32, #tpu.memory_space<hbm>>) target(%arg8 : memref<2x128xi32, #tpu.memory_space<vmem>>) target_semaphore(%run_scoped3A_38 : memref<!tpu.dma_semaphore, #tpu.memory_space<semaphore_mem>>)
        %dma_wait3A_47 = arith.constant 0 : i32
        %dma_wait3A_48 = arith.constant 0 : i32
        %dma_wait3A_49 = tpu.memref_slice %arg4[%add3A_19, %dma_wait3A_47, %dma_wait3A_48] : memref<2528x2x128xi32, #tpu.memory_space<hbm>> -> memref<1x2x128xi32, #tpu.memory_space<hbm>>
        %dma_wait3A_50 = tpu.memref_squeeze %dma_wait3A_49 : memref<1x2x128xi32, #tpu.memory_space<hbm>> -> memref<2x128xi32, #tpu.memory_space<hbm>>
        %dma_wait3A_51 = arith.constant 0 : i32
        %dma_wait3A_52 = arith.constant 0 : i32
        %dma_wait3A_53 = tpu.memref_slice %arg4[%add3A_19, %dma_wait3A_51, %dma_wait3A_52] : memref<2528x2x128xi32, #tpu.memory_space<hbm>> -> memref<1x2x128xi32, #tpu.memory_space<hbm>>
        %dma_wait3A_54 = tpu.memref_squeeze %dma_wait3A_53 : memref<1x2x128xi32, #tpu.memory_space<hbm>> -> memref<2x128xi32, #tpu.memory_space<hbm>>
        tpu.wait_dma2 semaphore(%run_scoped3A_38 : memref<!tpu.dma_semaphore, #tpu.memory_space<semaphore_mem>>) src(%dma_wait3A_54 : memref<2x128xi32, #tpu.memory_space<hbm>>) dst(%arg8 : memref<2x128xi32, #tpu.memory_space<vmem>>)
        tpu.yield
      }) : () -> ()
      "tpu.region"() ({
        %run_scoped3A_38 = tpu.sem_alloc : memref<!tpu.dma_semaphore, #tpu.memory_space<semaphore_mem>>
        %dma_start3A_39 = arith.constant 0 : i32
        %dma_start3A_40 = arith.constant 0 : i32
        %dma_start3A_41 = tpu.memref_slice %arg3[%add3A_19, %dma_start3A_39, %dma_start3A_40] : memref<2528x128x128xf32, #tpu.memory_space<hbm>> -> memref<1x128x128xf32, #tpu.memory_space<hbm>>
        %dma_start3A_42 = tpu.memref_squeeze %dma_start3A_41 : memref<1x128x128xf32, #tpu.memory_space<hbm>> -> memref<128x128xf32, #tpu.memory_space<hbm>>
        %dma_start3A_43 = arith.constant 0 : i32
        %dma_start3A_44 = arith.constant 0 : i32
        %dma_start3A_45 = tpu.memref_slice %arg3[%add3A_19, %dma_start3A_43, %dma_start3A_44] : memref<2528x128x128xf32, #tpu.memory_space<hbm>> -> memref<1x128x128xf32, #tpu.memory_space<hbm>>
        %dma_start3A_46 = tpu.memref_squeeze %dma_start3A_45 : memref<1x128x128xf32, #tpu.memory_space<hbm>> -> memref<128x128xf32, #tpu.memory_space<hbm>>
        tpu.enqueue_dma source(%dma_start3A_46 : memref<128x128xf32, #tpu.memory_space<hbm>>) target(%arg9 : memref<128x128xf32, #tpu.memory_space<vmem>>) target_semaphore(%run_scoped3A_38 : memref<!tpu.dma_semaphore, #tpu.memory_space<semaphore_mem>>)
        %dma_wait3A_47 = arith.constant 0 : i32
        %dma_wait3A_48 = arith.constant 0 : i32
        %dma_wait3A_49 = tpu.memref_slice %arg3[%add3A_19, %dma_wait3A_47, %dma_wait3A_48] : memref<2528x128x128xf32, #tpu.memory_space<hbm>> -> memref<1x128x128xf32, #tpu.memory_space<hbm>>
        %dma_wait3A_50 = tpu.memref_squeeze %dma_wait3A_49 : memref<1x128x128xf32, #tpu.memory_space<hbm>> -> memref<128x128xf32, #tpu.memory_space<hbm>>
        %dma_wait3A_51 = arith.constant 0 : i32
        %dma_wait3A_52 = arith.constant 0 : i32
        %dma_wait3A_53 = tpu.memref_slice %arg3[%add3A_19, %dma_wait3A_51, %dma_wait3A_52] : memref<2528x128x128xf32, #tpu.memory_space<hbm>> -> memref<1x128x128xf32, #tpu.memory_space<hbm>>
        %dma_wait3A_54 = tpu.memref_squeeze %dma_wait3A_53 : memref<1x128x128xf32, #tpu.memory_space<hbm>> -> memref<128x128xf32, #tpu.memory_space<hbm>>
        tpu.wait_dma2 semaphore(%run_scoped3A_38 : memref<!tpu.dma_semaphore, #tpu.memory_space<semaphore_mem>>) src(%dma_wait3A_54 : memref<128x128xf32, #tpu.memory_space<hbm>>) dst(%arg9 : memref<128x128xf32, #tpu.memory_space<vmem>>)
        tpu.yield
      }) : () -> ()
      %dma_start3A = arith.constant 0 : i32
      %dma_start3A_20 = arith.constant 0 : i32
      %dma_start3A_21 = tpu.memref_slice %arg8[%dma_start3A, %dma_start3A_20] : memref<2x128xi32, #tpu.memory_space<vmem>> -> memref<1x128xi32, #tpu.memory_space<vmem>>
      %dma_start3A_22 = tpu.memref_squeeze %dma_start3A_21 : memref<1x128xi32, #tpu.memory_space<vmem>> -> memref<128xi32, #tpu.memory_space<vmem>>
      %dma_start3A_23 = arith.constant 0 : i32
      %dma_start3A_24 = arith.constant 0 : i32
      %dma_start3A_25 = tpu.memref_slice %arg2[%dma_start3A_23, %dma_start3A_24] : memref<10240x128xf32, #tpu.memory_space<hbm>> -> memref<10240x128xf32, #tpu.memory_space<hbm>>
      tpu.enqueue_indirect_dma source(%dma_start3A_25 : memref<10240x128xf32, #tpu.memory_space<hbm>>) target(%arg9 : memref<128x128xf32, #tpu.memory_space<vmem>>) offsets(%dma_start3A_22 : memref<128xi32, #tpu.memory_space<vmem>>) semaphore(%arg11 : memref<!tpu.dma_semaphore, #tpu.memory_space<semaphore_mem>>) {add = true}
      %dma_wait3A = arith.constant 0 : i32
      %dma_wait3A_26 = arith.constant 0 : i32
      %dma_wait3A_27 = tpu.memref_slice %arg8[%dma_wait3A, %dma_wait3A_26] : memref<2x128xi32, #tpu.memory_space<vmem>> -> memref<1x128xi32, #tpu.memory_space<vmem>>
      %dma_wait3A_28 = tpu.memref_squeeze %dma_wait3A_27 : memref<1x128xi32, #tpu.memory_space<vmem>> -> memref<128xi32, #tpu.memory_space<vmem>>
      %dma_wait3A_29 = arith.constant 0 : i32
      %dma_wait3A_30 = arith.constant 0 : i32
      %dma_wait3A_31 = tpu.memref_slice %arg2[%dma_wait3A_29, %dma_wait3A_30] : memref<10240x128xf32, #tpu.memory_space<hbm>> -> memref<10240x128xf32, #tpu.memory_space<hbm>>
      tpu.wait_indirect_dma semaphore(%arg11 : memref<!tpu.dma_semaphore, #tpu.memory_space<semaphore_mem>>) src(%dma_wait3A_31 : memref<10240x128xf32, #tpu.memory_space<hbm>>) dst(%arg9 : memref<128x128xf32, #tpu.memory_space<vmem>>)
      %scan3A_32 = arith.constant 0 : i32
      %scan3A_33 = arith.constant 0 : i32
      %scan3A_34 = arith.constant 128 : i32
      %scan3A_35 = arith.addi %scan3A_33, %scan3A_34 : i32
      %scan3A_36 = arith.constant 2 : i32
      scf.for %scan3A_38 = %scan3A_33 to %scan3A_35 step %scan3A_36  : i32 {
        %get3A = arith.index_cast %scan3A_38 : i32 to index
        %get3A_39 = arith.constant 0 : index
        %get3A_40 = tpu.vector_load %arg9[%get3A, %get3A_39] {strides = array<i32>} : memref<128x128xf32, #tpu.memory_space<vmem>>, vector<1x16xf32>,
        %get3A_41 = vector.shape_cast %get3A_40 : vector<1x16xf32> to vector<16xf32>
        %max3A = arith.constant 0.000000e+00 : f32
        %max3A_42 = vector.broadcast %max3A : f32 to vector<16xf32>
        %max3A_43 = arith.maximumf %get3A_41, %max3A_42 : vector<16xf32>
        %swap3A = arith.index_cast %scan3A_38 : i32 to index
        %swap3A_44 = arith.constant 0 : index
        %swap3A_45 = tpu.vector_load %arg9[%swap3A, %swap3A_44] {strides = array<i32>} : memref<128x128xf32, #tpu.memory_space<vmem>>, vector<1x16xf32>,
        %swap3A_46 = vector.shape_cast %swap3A_45 : vector<1x16xf32> to vector<16xf32>
        %swap3A_47 = vector.shape_cast %max3A_43 : vector<16xf32> to vector<1x16xf32>
        tpu.vector_store %arg9[%swap3A, %swap3A_44], %swap3A_47 {strides = array<i32>} : memref<128x128xf32, #tpu.memory_space<vmem>>, vector<1x16xf32>,
        %get3A_48 = arith.index_cast %scan3A_38 : i32 to index
        %get3A_49 = arith.constant 16 : index
        %get3A_50 = tpu.vector_load %arg9[%get3A_48, %get3A_49] {strides = array<i32>} : memref<128x128xf32, #tpu.memory_space<vmem>>, vector<1x16xf32>,
        %get3A_51 = vector.shape_cast %get3A_50 : vector<1x16xf32> to vector<16xf32>
        %max3A_52 = arith.constant 0.000000e+00 : f32
        %max3A_53 = vector.broadcast %max3A_52 : f32 to vector<16xf32>
        %max3A_54 = arith.maximumf %get3A_51, %max3A_53 : vector<16xf32>
        %swap3A_55 = arith.index_cast %scan3A_38 : i32 to index
        %swap3A_56 = arith.constant 16 : index
        %swap3A_57 = tpu.vector_load %arg9[%swap3A_55, %swap3A_56] {strides = array<i32>} : memref<128x128xf32, #tpu.memory_space<vmem>>, vector<1x16xf32>,
        %swap3A_58 = vector.shape_cast %swap3A_57 : vector<1x16xf32> to vector<16xf32>
        %swap3A_59 = vector.shape_cast %max3A_54 : vector<16xf32> to vector<1x16xf32>
        tpu.vector_store %arg9[%swap3A_55, %swap3A_56], %swap3A_59 {strides = array<i32>} : memref<128x128xf32, #tpu.memory_space<vmem>>, vector<1x16xf32>,
        %get3A_60 = arith.index_cast %scan3A_38 : i32 to index
        %get3A_61 = arith.constant 32 : index
        %get3A_62 = tpu.vector_load %arg9[%get3A_60, %get3A_61] {strides = array<i32>} : memref<128x128xf32, #tpu.memory_space<vmem>>, vector<1x16xf32>,
        %get3A_63 = vector.shape_cast %get3A_62 : vector<1x16xf32> to vector<16xf32>
        %max3A_64 = arith.constant 0.000000e+00 : f32
        %max3A_65 = vector.broadcast %max3A_64 : f32 to vector<16xf32>
        %max3A_66 = arith.maximumf %get3A_63, %max3A_65 : vector<16xf32>
        %swap3A_67 = arith.index_cast %scan3A_38 : i32 to index
        %swap3A_68 = arith.constant 32 : index
        %swap3A_69 = tpu.vector_load %arg9[%swap3A_67, %swap3A_68] {strides = array<i32>} : memref<128x128xf32, #tpu.memory_space<vmem>>, vector<1x16xf32>,
        %swap3A_70 = vector.shape_cast %swap3A_69 : vector<1x16xf32> to vector<16xf32>
        %swap3A_71 = vector.shape_cast %max3A_66 : vector<16xf32> to vector<1x16xf32>
        tpu.vector_store %arg9[%swap3A_67, %swap3A_68], %swap3A_71 {strides = array<i32>} : memref<128x128xf32, #tpu.memory_space<vmem>>, vector<1x16xf32>,
        %get3A_72 = arith.index_cast %scan3A_38 : i32 to index
        %get3A_73 = arith.constant 48 : index
        %get3A_74 = tpu.vector_load %arg9[%get3A_72, %get3A_73] {strides = array<i32>} : memref<128x128xf32, #tpu.memory_space<vmem>>, vector<1x16xf32>,
        %get3A_75 = vector.shape_cast %get3A_74 : vector<1x16xf32> to vector<16xf32>
        %max3A_76 = arith.constant 0.000000e+00 : f32
        %max3A_77 = vector.broadcast %max3A_76 : f32 to vector<16xf32>
        %max3A_78 = arith.maximumf %get3A_75, %max3A_77 : vector<16xf32>
        %swap3A_79 = arith.index_cast %scan3A_38 : i32 to index
        %swap3A_80 = arith.constant 48 : index
        %swap3A_81 = tpu.vector_load %arg9[%swap3A_79, %swap3A_80] {strides = array<i32>} : memref<128x128xf32, #tpu.memory_space<vmem>>, vector<1x16xf32>,
        %swap3A_82 = vector.shape_cast %swap3A_81 : vector<1x16xf32> to vector<16xf32>
        %swap3A_83 = vector.shape_cast %max3A_78 : vector<16xf32> to vector<1x16xf32>
        tpu.vector_store %arg9[%swap3A_79, %swap3A_80], %swap3A_83 {strides = array<i32>} : memref<128x128xf32, #tpu.memory_space<vmem>>, vector<1x16xf32>,
        %get3A_84 = arith.index_cast %scan3A_38 : i32 to index
        %get3A_85 = arith.constant 64 : index
        %get3A_86 = tpu.vector_load %arg9[%get3A_84, %get3A_85] {strides = array<i32>} : memref<128x128xf32, #tpu.memory_space<vmem>>, vector<1x16xf32>,
        %get3A_87 = vector.shape_cast %get3A_86 : vector<1x16xf32> to vector<16xf32>
        %max3A_88 = arith.constant 0.000000e+00 : f32
        %max3A_89 = vector.broadcast %max3A_88 : f32 to vector<16xf32>
        %max3A_90 = arith.maximumf %get3A_87, %max3A_89 : vector<16xf32>
        %swap3A_91 = arith.index_cast %scan3A_38 : i32 to index
        %swap3A_92 = arith.constant 64 : index
        %swap3A_93 = tpu.vector_load %arg9[%swap3A_91, %swap3A_92] {strides = array<i32>} : memref<128x128xf32, #tpu.memory_space<vmem>>, vector<1x16xf32>,
        %swap3A_94 = vector.shape_cast %swap3A_93 : vector<1x16xf32> to vector<16xf32>
        %swap3A_95 = vector.shape_cast %max3A_90 : vector<16xf32> to vector<1x16xf32>
        tpu.vector_store %arg9[%swap3A_91, %swap3A_92], %swap3A_95 {strides = array<i32>} : memref<128x128xf32, #tpu.memory_space<vmem>>, vector<1x16xf32>,
        %get3A_96 = arith.index_cast %scan3A_38 : i32 to index
        %get3A_97 = arith.constant 80 : index
        %get3A_98 = tpu.vector_load %arg9[%get3A_96, %get3A_97] {strides = array<i32>} : memref<128x128xf32, #tpu.memory_space<vmem>>, vector<1x16xf32>,
        %get3A_99 = vector.shape_cast %get3A_98 : vector<1x16xf32> to vector<16xf32>
        %max3A_100 = arith.constant 0.000000e+00 : f32
        %max3A_101 = vector.broadcast %max3A_100 : f32 to vector<16xf32>
        %max3A_102 = arith.maximumf %get3A_99, %max3A_101 : vector<16xf32>
        %swap3A_103 = arith.index_cast %scan3A_38 : i32 to index
        %swap3A_104 = arith.constant 80 : index
        %swap3A_105 = tpu.vector_load %arg9[%swap3A_103, %swap3A_104] {strides = array<i32>} : memref<128x128xf32, #tpu.memory_space<vmem>>, vector<1x16xf32>,
        %swap3A_106 = vector.shape_cast %swap3A_105 : vector<1x16xf32> to vector<16xf32>
        %swap3A_107 = vector.shape_cast %max3A_102 : vector<16xf32> to vector<1x16xf32>
        tpu.vector_store %arg9[%swap3A_103, %swap3A_104], %swap3A_107 {strides = array<i32>} : memref<128x128xf32, #tpu.memory_space<vmem>>, vector<1x16xf32>,
        %get3A_108 = arith.index_cast %scan3A_38 : i32 to index
        %get3A_109 = arith.constant 96 : index
        %get3A_110 = tpu.vector_load %arg9[%get3A_108, %get3A_109] {strides = array<i32>} : memref<128x128xf32, #tpu.memory_space<vmem>>, vector<1x16xf32>,
        %get3A_111 = vector.shape_cast %get3A_110 : vector<1x16xf32> to vector<16xf32>
        %max3A_112 = arith.constant 0.000000e+00 : f32
        %max3A_113 = vector.broadcast %max3A_112 : f32 to vector<16xf32>
        %max3A_114 = arith.maximumf %get3A_111, %max3A_113 : vector<16xf32>
        %swap3A_115 = arith.index_cast %scan3A_38 : i32 to index
        %swap3A_116 = arith.constant 96 : index
        %swap3A_117 = tpu.vector_load %arg9[%swap3A_115, %swap3A_116] {strides = array<i32>} : memref<128x128xf32, #tpu.memory_space<vmem>>, vector<1x16xf32>,
        %swap3A_118 = vector.shape_cast %swap3A_117 : vector<1x16xf32> to vector<16xf32>
        %swap3A_119 = vector.shape_cast %max3A_114 : vector<16xf32> to vector<1x16xf32>
        tpu.vector_store %arg9[%swap3A_115, %swap3A_116], %swap3A_119 {strides = array<i32>} : memref<128x128xf32, #tpu.memory_space<vmem>>, vector<1x16xf32>,
        %get3A_120 = arith.index_cast %scan3A_38 : i32 to index
        %get3A_121 = arith.constant 112 : index
        %get3A_122 = tpu.vector_load %arg9[%get3A_120, %get3A_121] {strides = array<i32>} : memref<128x128xf32, #tpu.memory_space<vmem>>, vector<1x16xf32>,
        %get3A_123 = vector.shape_cast %get3A_122 : vector<1x16xf32> to vector<16xf32>
        %max3A_124 = arith.constant 0.000000e+00 : f32
        %max3A_125 = vector.broadcast %max3A_124 : f32 to vector<16xf32>
        %max3A_126 = arith.maximumf %get3A_123, %max3A_125 : vector<16xf32>
        %swap3A_127 = arith.index_cast %scan3A_38 : i32 to index
        %swap3A_128 = arith.constant 112 : index
        %swap3A_129 = tpu.vector_load %arg9[%swap3A_127, %swap3A_128] {strides = array<i32>} : memref<128x128xf32, #tpu.memory_space<vmem>>, vector<1x16xf32>,
        %swap3A_130 = vector.shape_cast %swap3A_129 : vector<1x16xf32> to vector<16xf32>
        %swap3A_131 = vector.shape_cast %max3A_126 : vector<16xf32> to vector<1x16xf32>
        tpu.vector_store %arg9[%swap3A_127, %swap3A_128], %swap3A_131 {strides = array<i32>} : memref<128x128xf32, #tpu.memory_space<vmem>>, vector<1x16xf32>,
        %scan3A_132 = arith.constant 1 : i32
        %scan3A_133 = arith.addi %scan3A_38, %scan3A_132 : i32
        %get3A_134 = arith.index_cast %scan3A_133 : i32 to index
        %get3A_135 = arith.constant 0 : index
        %get3A_136 = tpu.vector_load %arg9[%get3A_134, %get3A_135] {strides = array<i32>} : memref<128x128xf32, #tpu.memory_space<vmem>>, vector<1x16xf32>,
        %get3A_137 = vector.shape_cast %get3A_136 : vector<1x16xf32> to vector<16xf32>
        %max3A_138 = arith.constant 0.000000e+00 : f32
        %max3A_139 = vector.broadcast %max3A_138 : f32 to vector<16xf32>
        %max3A_140 = arith.maximumf %get3A_137, %max3A_139 : vector<16xf32>
        %swap3A_141 = arith.index_cast %scan3A_133 : i32 to index
        %swap3A_142 = arith.constant 0 : index
        %swap3A_143 = tpu.vector_load %arg9[%swap3A_141, %swap3A_142] {strides = array<i32>} : memref<128x128xf32, #tpu.memory_space<vmem>>, vector<1x16xf32>,
        %swap3A_144 = vector.shape_cast %swap3A_143 : vector<1x16xf32> to vector<16xf32>
        %swap3A_145 = vector.shape_cast %max3A_140 : vector<16xf32> to vector<1x16xf32>
        tpu.vector_store %arg9[%swap3A_141, %swap3A_142], %swap3A_145 {strides = array<i32>} : memref<128x128xf32, #tpu.memory_space<vmem>>, vector<1x16xf32>,
        %get3A_146 = arith.index_cast %scan3A_133 : i32 to index
        %get3A_147 = arith.constant 16 : index
        %get3A_148 = tpu.vector_load %arg9[%get3A_146, %get3A_147] {strides = array<i32>} : memref<128x128xf32, #tpu.memory_space<vmem>>, vector<1x16xf32>,
        %get3A_149 = vector.shape_cast %get3A_148 : vector<1x16xf32> to vector<16xf32>
        %max3A_150 = arith.constant 0.000000e+00 : f32
        %max3A_151 = vector.broadcast %max3A_150 : f32 to vector<16xf32>
        %max3A_152 = arith.maximumf %get3A_149, %max3A_151 : vector<16xf32>
        %swap3A_153 = arith.index_cast %scan3A_133 : i32 to index
        %swap3A_154 = arith.constant 16 : index
        %swap3A_155 = tpu.vector_load %arg9[%swap3A_153, %swap3A_154] {strides = array<i32>} : memref<128x128xf32, #tpu.memory_space<vmem>>, vector<1x16xf32>,
        %swap3A_156 = vector.shape_cast %swap3A_155 : vector<1x16xf32> to vector<16xf32>
        %swap3A_157 = vector.shape_cast %max3A_152 : vector<16xf32> to vector<1x16xf32>
        tpu.vector_store %arg9[%swap3A_153, %swap3A_154], %swap3A_157 {strides = array<i32>} : memref<128x128xf32, #tpu.memory_space<vmem>>, vector<1x16xf32>,
        %get3A_158 = arith.index_cast %scan3A_133 : i32 to index
        %get3A_159 = arith.constant 32 : index
        %get3A_160 = tpu.vector_load %arg9[%get3A_158, %get3A_159] {strides = array<i32>} : memref<128x128xf32, #tpu.memory_space<vmem>>, vector<1x16xf32>,
        %get3A_161 = vector.shape_cast %get3A_160 : vector<1x16xf32> to vector<16xf32>
        %max3A_162 = arith.constant 0.000000e+00 : f32
        %max3A_163 = vector.broadcast %max3A_162 : f32 to vector<16xf32>
        %max3A_164 = arith.maximumf %get3A_161, %max3A_163 : vector<16xf32>
        %swap3A_165 = arith.index_cast %scan3A_133 : i32 to index
        %swap3A_166 = arith.constant 32 : index
        %swap3A_167 = tpu.vector_load %arg9[%swap3A_165, %swap3A_166] {strides = array<i32>} : memref<128x128xf32, #tpu.memory_space<vmem>>, vector<1x16xf32>,
        %swap3A_168 = vector.shape_cast %swap3A_167 : vector<1x16xf32> to vector<16xf32>
        %swap3A_169 = vector.shape_cast %max3A_164 : vector<16xf32> to vector<1x16xf32>
        tpu.vector_store %arg9[%swap3A_165, %swap3A_166], %swap3A_169 {strides = array<i32>} : memref<128x128xf32, #tpu.memory_space<vmem>>, vector<1x16xf32>,
        %get3A_170 = arith.index_cast %scan3A_133 : i32 to index
        %get3A_171 = arith.constant 48 : index
        %get3A_172 = tpu.vector_load %arg9[%get3A_170, %get3A_171] {strides = array<i32>} : memref<128x128xf32, #tpu.memory_space<vmem>>, vector<1x16xf32>,
        %get3A_173 = vector.shape_cast %get3A_172 : vector<1x16xf32> to vector<16xf32>
        %max3A_174 = arith.constant 0.000000e+00 : f32
        %max3A_175 = vector.broadcast %max3A_174 : f32 to vector<16xf32>
        %max3A_176 = arith.maximumf %get3A_173, %max3A_175 : vector<16xf32>
        %swap3A_177 = arith.index_cast %scan3A_133 : i32 to index
        %swap3A_178 = arith.constant 48 : index
        %swap3A_179 = tpu.vector_load %arg9[%swap3A_177, %swap3A_178] {strides = array<i32>} : memref<128x128xf32, #tpu.memory_space<vmem>>, vector<1x16xf32>,
        %swap3A_180 = vector.shape_cast %swap3A_179 : vector<1x16xf32> to vector<16xf32>
        %swap3A_181 = vector.shape_cast %max3A_176 : vector<16xf32> to vector<1x16xf32>
        tpu.vector_store %arg9[%swap3A_177, %swap3A_178], %swap3A_181 {strides = array<i32>} : memref<128x128xf32, #tpu.memory_space<vmem>>, vector<1x16xf32>,
        %get3A_182 = arith.index_cast %scan3A_133 : i32 to index
        %get3A_183 = arith.constant 64 : index
        %get3A_184 = tpu.vector_load %arg9[%get3A_182, %get3A_183] {strides = array<i32>} : memref<128x128xf32, #tpu.memory_space<vmem>>, vector<1x16xf32>,
        %get3A_185 = vector.shape_cast %get3A_184 : vector<1x16xf32> to vector<16xf32>
        %max3A_186 = arith.constant 0.000000e+00 : f32
        %max3A_187 = vector.broadcast %max3A_186 : f32 to vector<16xf32>
        %max3A_188 = arith.maximumf %get3A_185, %max3A_187 : vector<16xf32>
        %swap3A_189 = arith.index_cast %scan3A_133 : i32 to index
        %swap3A_190 = arith.constant 64 : index
        %swap3A_191 = tpu.vector_load %arg9[%swap3A_189, %swap3A_190] {strides = array<i32>} : memref<128x128xf32, #tpu.memory_space<vmem>>, vector<1x16xf32>,
        %swap3A_192 = vector.shape_cast %swap3A_191 : vector<1x16xf32> to vector<16xf32>
        %swap3A_193 = vector.shape_cast %max3A_188 : vector<16xf32> to vector<1x16xf32>
        tpu.vector_store %arg9[%swap3A_189, %swap3A_190], %swap3A_193 {strides = array<i32>} : memref<128x128xf32, #tpu.memory_space<vmem>>, vector<1x16xf32>,
        %get3A_194 = arith.index_cast %scan3A_133 : i32 to index
        %get3A_195 = arith.constant 80 : index
        %get3A_196 = tpu.vector_load %arg9[%get3A_194, %get3A_195] {strides = array<i32>} : memref<128x128xf32, #tpu.memory_space<vmem>>, vector<1x16xf32>,
        %get3A_197 = vector.shape_cast %get3A_196 : vector<1x16xf32> to vector<16xf32>
        %max3A_198 = arith.constant 0.000000e+00 : f32
        %max3A_199 = vector.broadcast %max3A_198 : f32 to vector<16xf32>
        %max3A_200 = arith.maximumf %get3A_197, %max3A_199 : vector<16xf32>
        %swap3A_201 = arith.index_cast %scan3A_133 : i32 to index
        %swap3A_202 = arith.constant 80 : index
        %swap3A_203 = tpu.vector_load %arg9[%swap3A_201, %swap3A_202] {strides = array<i32>} : memref<128x128xf32, #tpu.memory_space<vmem>>, vector<1x16xf32>,
        %swap3A_204 = vector.shape_cast %swap3A_203 : vector<1x16xf32> to vector<16xf32>
        %swap3A_205 = vector.shape_cast %max3A_200 : vector<16xf32> to vector<1x16xf32>
        tpu.vector_store %arg9[%swap3A_201, %swap3A_202], %swap3A_205 {strides = array<i32>} : memref<128x128xf32, #tpu.memory_space<vmem>>, vector<1x16xf32>,
        %get3A_206 = arith.index_cast %scan3A_133 : i32 to index
        %get3A_207 = arith.constant 96 : index
        %get3A_208 = tpu.vector_load %arg9[%get3A_206, %get3A_207] {strides = array<i32>} : memref<128x128xf32, #tpu.memory_space<vmem>>, vector<1x16xf32>,
        %get3A_209 = vector.shape_cast %get3A_208 : vector<1x16xf32> to vector<16xf32>
        %max3A_210 = arith.constant 0.000000e+00 : f32
        %max3A_211 = vector.broadcast %max3A_210 : f32 to vector<16xf32>
        %max3A_212 = arith.maximumf %get3A_209, %max3A_211 : vector<16xf32>
        %swap3A_213 = arith.index_cast %scan3A_133 : i32 to index
        %swap3A_214 = arith.constant 96 : index
        %swap3A_215 = tpu.vector_load %arg9[%swap3A_213, %swap3A_214] {strides = array<i32>} : memref<128x128xf32, #tpu.memory_space<vmem>>, vector<1x16xf32>,
        %swap3A_216 = vector.shape_cast %swap3A_215 : vector<1x16xf32> to vector<16xf32>
        %swap3A_217 = vector.shape_cast %max3A_212 : vector<16xf32> to vector<1x16xf32>
        tpu.vector_store %arg9[%swap3A_213, %swap3A_214], %swap3A_217 {strides = array<i32>} : memref<128x128xf32, #tpu.memory_space<vmem>>, vector<1x16xf32>,
        %get3A_218 = arith.index_cast %scan3A_133 : i32 to index
        %get3A_219 = arith.constant 112 : index
        %get3A_220 = tpu.vector_load %arg9[%get3A_218, %get3A_219] {strides = array<i32>} : memref<128x128xf32, #tpu.memory_space<vmem>>, vector<1x16xf32>,
        %get3A_221 = vector.shape_cast %get3A_220 : vector<1x16xf32> to vector<16xf32>
        %max3A_222 = arith.constant 0.000000e+00 : f32
        %max3A_223 = vector.broadcast %max3A_222 : f32 to vector<16xf32>
        %max3A_224 = arith.maximumf %get3A_221, %max3A_223 : vector<16xf32>
        %swap3A_225 = arith.index_cast %scan3A_133 : i32 to index
        %swap3A_226 = arith.constant 112 : index
        %swap3A_227 = tpu.vector_load %arg9[%swap3A_225, %swap3A_226] {strides = array<i32>} : memref<128x128xf32, #tpu.memory_space<vmem>>, vector<1x16xf32>,
        %swap3A_228 = vector.shape_cast %swap3A_227 : vector<1x16xf32> to vector<16xf32>
        %swap3A_229 = vector.shape_cast %max3A_224 : vector<16xf32> to vector<1x16xf32>
        tpu.vector_store %arg9[%swap3A_225, %swap3A_226], %swap3A_229 {strides = array<i32>} : memref<128x128xf32, #tpu.memory_space<vmem>>, vector<1x16xf32>,
      }
      %scan3A_37 = arith.constant 128 : i32
      %run_scoped3A = arith.constant 1 : i32
      "tpu.region"() ({
        %run_scoped3A_38 = tpu.sem_alloc : memref<!tpu.dma_semaphore, #tpu.memory_space<semaphore_mem>>
        %dma_start3A_39 = arith.constant 0 : i32
        %dma_start3A_40 = tpu.memref_slice %arg8[%run_scoped3A, %dma_start3A_39] : memref<2x128xi32, #tpu.memory_space<vmem>> -> memref<1x128xi32, #tpu.memory_space<vmem>>
        %dma_start3A_41 = tpu.memref_squeeze %dma_start3A_40 : memref<1x128xi32, #tpu.memory_space<vmem>> -> memref<128xi32, #tpu.memory_space<vmem>>
        %dma_start3A_42 = arith.constant 0 : i32
        %dma_start3A_43 = arith.constant 0 : i32
        %dma_start3A_44 = tpu.memref_slice %arg10[%dma_start3A_42, %dma_start3A_43] : memref<10240x128xf32, #tpu.memory_space<vmem_shared>> -> memref<10240x128xf32, #tpu.memory_space<vmem_shared>>
        tpu.enqueue_indirect_dma source(%arg9 : memref<128x128xf32, #tpu.memory_space<vmem>>) target(%dma_start3A_44 : memref<10240x128xf32, #tpu.memory_space<vmem_shared>>) offsets(%dma_start3A_41 : memref<128xi32, #tpu.memory_space<vmem>>) semaphore(%run_scoped3A_38 : memref<!tpu.dma_semaphore, #tpu.memory_space<semaphore_mem>>) {add = true}
        %dma_wait3A_45 = arith.constant 0 : i32
        %dma_wait3A_46 = tpu.memref_slice %arg8[%run_scoped3A, %dma_wait3A_45] : memref<2x128xi32, #tpu.memory_space<vmem>> -> memref<1x128xi32, #tpu.memory_space<vmem>>
        %dma_wait3A_47 = tpu.memref_squeeze %dma_wait3A_46 : memref<1x128xi32, #tpu.memory_space<vmem>> -> memref<128xi32, #tpu.memory_space<vmem>>
        %dma_wait3A_48 = arith.constant 0 : i32
        %dma_wait3A_49 = arith.constant 0 : i32
        %dma_wait3A_50 = tpu.memref_slice %arg10[%dma_wait3A_48, %dma_wait3A_49] : memref<10240x128xf32, #tpu.memory_space<vmem_shared>> -> memref<10240x128xf32, #tpu.memory_space<vmem_shared>>
        tpu.wait_indirect_dma semaphore(%run_scoped3A_38 : memref<!tpu.dma_semaphore, #tpu.memory_space<semaphore_mem>>) src(%arg9 : memref<128x128xf32, #tpu.memory_space<vmem>>) dst(%dma_wait3A_50 : memref<10240x128xf32, #tpu.memory_space<vmem_shared>>)
        tpu.yield
      }) : () -> ()
    }
    %scan3A_9 = arith.constant 79 : i32
    %barrier3A_10 = arith.constant 0 : index
    tpu.barrier barrier_id(%barrier3A_10)
    %eq3A = arith.constant 0 : i32
    %eq3A_11 = arith.cmpi eq, %arg0, %eq3A : i32
    %convert_element_type3A = arith.extui %eq3A_11 : i1 to i32
    %cond3A = arith.constant 0 : i32
    %cond3A_12 = arith.cmpi ne, %convert_element_type3A, %cond3A : i32
    scf.if %cond3A_12 {
      "tpu.region"() ({
        %run_scoped3A = tpu.sem_alloc : memref<!tpu.dma_semaphore, #tpu.memory_space<semaphore_mem>>
        %dma_start3A = arith.constant 0 : i32
        %dma_start3A_18 = tpu.memref_slice %arg6[%mul3A_4, %dma_start3A] : memref<10240x128xf32, #tpu.memory_space<hbm>> -> memref<640x128xf32, #tpu.memory_space<hbm>>
        %dma_start3A_19 = arith.constant 0 : i32
        %dma_start3A_20 = tpu.memref_slice %arg10[%mul3A_4, %dma_start3A_19] : memref<10240x128xf32, #tpu.memory_space<vmem_shared>> -> memref<640x128xf32, #tpu.memory_space<vmem_shared>>
        tpu.enqueue_dma source(%dma_start3A_20 : memref<640x128xf32, #tpu.memory_space<vmem_shared>>) target(%dma_start3A_18 : memref<640x128xf32, #tpu.memory_space<hbm>>) target_semaphore(%run_scoped3A : memref<!tpu.dma_semaphore, #tpu.memory_space<semaphore_mem>>)
        %dma_wait3A = arith.constant 0 : i32
        %dma_wait3A_21 = tpu.memref_slice %arg6[%mul3A_4, %dma_wait3A] : memref<10240x128xf32, #tpu.memory_space<hbm>> -> memref<640x128xf32, #tpu.memory_space<hbm>>
        %dma_wait3A_22 = arith.constant 0 : i32
        %dma_wait3A_23 = tpu.memref_slice %arg10[%mul3A_4, %dma_wait3A_22] : memref<10240x128xf32, #tpu.memory_space<vmem_shared>> -> memref<640x128xf32, #tpu.memory_space<vmem_shared>>
        tpu.wait_dma2 semaphore(%run_scoped3A : memref<!tpu.dma_semaphore, #tpu.memory_space<semaphore_mem>>) src(%dma_wait3A_23 : memref<640x128xf32, #tpu.memory_space<vmem_shared>>) dst(%dma_wait3A_21 : memref<640x128xf32, #tpu.memory_space<hbm>>)
        tpu.yield
      }) : () -> ()
    } else {
    }
    %eq3A_13 = arith.constant 1 : i32
    %eq3A_14 = arith.cmpi eq, %arg0, %eq3A_13 : i32
    %convert_element_type3A_15 = arith.extui %eq3A_14 : i1 to i32
    %cond3A_16 = arith.constant 0 : i32
    %cond3A_17 = arith.cmpi ne, %convert_element_type3A_15, %cond3A_16 : i32
    scf.if %cond3A_17 {
      "tpu.region"() ({
        %run_scoped3A = tpu.sem_alloc : memref<!tpu.dma_semaphore, #tpu.memory_space<semaphore_mem>>
        %dma_start3A = arith.constant 0 : i32
        %dma_start3A_18 = tpu.memref_slice %arg7[%mul3A_4, %dma_start3A] : memref<10240x128xf32, #tpu.memory_space<hbm>> -> memref<640x128xf32, #tpu.memory_space<hbm>>
        %dma_start3A_19 = arith.constant 0 : i32
        %dma_start3A_20 = tpu.memref_slice %arg10[%mul3A_4, %dma_start3A_19] : memref<10240x128xf32, #tpu.memory_space<vmem_shared>> -> memref<640x128xf32, #tpu.memory_space<vmem_shared>>
        tpu.enqueue_dma source(%dma_start3A_20 : memref<640x128xf32, #tpu.memory_space<vmem_shared>>) target(%dma_start3A_18 : memref<640x128xf32, #tpu.memory_space<hbm>>) target_semaphore(%run_scoped3A : memref<!tpu.dma_semaphore, #tpu.memory_space<semaphore_mem>>)
        %dma_wait3A = arith.constant 0 : i32
        %dma_wait3A_21 = tpu.memref_slice %arg7[%mul3A_4, %dma_wait3A] : memref<10240x128xf32, #tpu.memory_space<hbm>> -> memref<640x128xf32, #tpu.memory_space<hbm>>
        %dma_wait3A_22 = arith.constant 0 : i32
        %dma_wait3A_23 = tpu.memref_slice %arg10[%mul3A_4, %dma_wait3A_22] : memref<10240x128xf32, #tpu.memory_space<vmem_shared>> -> memref<640x128xf32, #tpu.memory_space<vmem_shared>>
        tpu.wait_dma2 semaphore(%run_scoped3A : memref<!tpu.dma_semaphore, #tpu.memory_space<semaphore_mem>>) src(%dma_wait3A_23 : memref<640x128xf32, #tpu.memory_space<vmem_shared>>) dst(%dma_wait3A_21 : memref<640x128xf32, #tpu.memory_space<hbm>>)
        tpu.yield
      }) : () -> ()
    } else {
    }
    return
  }
}

#map = affine_map<(d0, d1) -> (0, 0)>
#map1 = affine_map<(d0, d1) -> (0, 0, 0)>
module attributes {stable_mosaic.version = 14 : i64} {
  func.func @_sc_edge_body(%arg0: i32, %arg1: i32, %arg2: memref<10240x128xf32, #tpu.memory_space<hbm>>, %arg3: memref<2528x128x128xf32, #tpu.memory_space<hbm>>, %arg4: memref<2528x2x128xi32, #tpu.memory_space<hbm>>, %arg5: memref<10240x128xf32, #tpu.memory_space<hbm>>, %arg6: memref<10240x128xf32, #tpu.memory_space<hbm>>, %arg7: memref<10240x128xf32, #tpu.memory_space<hbm>>, %arg8: memref<2x128xi32, #tpu.memory_space<vmem>>, %arg9: memref<128x128xf32, #tpu.memory_space<vmem>>, %arg10: memref<10240x128xf32, #tpu.memory_space<vmem_shared>>, %arg11: memref<!tpu.dma_semaphore, #tpu.memory_space<semaphore_mem>>) attributes {dimension_semantics = [#tpu.dimension_semantics<core_parallel>, #tpu.dimension_semantics<subcore_parallel>], iteration_bounds = array<i64: 2, 16>, scalar_prefetch = 0 : i64, scratch_operands = 4 : i64, tpu.core_type = #tpu.core_type<sc_vector_subcore>, window_params = [{transform_indices = #map}, {transform_indices = #map1}, {transform_indices = #map1}, {transform_indices = #map}, {transform_indices = #map}, {transform_indices = #map}]} {
    %mul3A = arith.constant 2 : i32
    %mul3A_0 = arith.muli %arg1, %mul3A : i32
    %add3A = arith.addi %mul3A_0, %arg0 : i32
    %mul3A_1 = arith.constant 79 : i32
    %mul3A_2 = arith.muli %add3A, %mul3A_1 : i32
    %mul3A_3 = arith.constant 640 : i32
    %mul3A_4 = arith.muli %arg1, %mul3A_3 : i32
    "tpu.region"() ({
      %run_scoped3A = tpu.sem_alloc : memref<!tpu.dma_semaphore, #tpu.memory_space<semaphore_mem>>
      %dma_start3A = arith.constant 0 : i32
      %dma_start3A_18 = tpu.memref_slice %arg10[%mul3A_4, %dma_start3A] : memref<10240x128xf32, #tpu.memory_space<vmem_shared>> -> memref<640x128xf32, #tpu.memory_space<vmem_shared>>
      %dma_start3A_19 = arith.constant 0 : i32
      %dma_start3A_20 = tpu.memref_slice %arg5[%mul3A_4, %dma_start3A_19] : memref<10240x128xf32, #tpu.memory_space<hbm>> -> memref<640x128xf32, #tpu.memory_space<hbm>>
      tpu.enqueue_dma source(%dma_start3A_20 : memref<640x128xf32, #tpu.memory_space<hbm>>) target(%dma_start3A_18 : memref<640x128xf32, #tpu.memory_space<vmem_shared>>) target_semaphore(%run_scoped3A : memref<!tpu.dma_semaphore, #tpu.memory_space<semaphore_mem>>)
      %dma_wait3A = arith.constant 0 : i32
      %dma_wait3A_21 = tpu.memref_slice %arg10[%mul3A_4, %dma_wait3A] : memref<10240x128xf32, #tpu.memory_space<vmem_shared>> -> memref<640x128xf32, #tpu.memory_space<vmem_shared>>
      %dma_wait3A_22 = arith.constant 0 : i32
      %dma_wait3A_23 = tpu.memref_slice %arg5[%mul3A_4, %dma_wait3A_22] : memref<10240x128xf32, #tpu.memory_space<hbm>> -> memref<640x128xf32, #tpu.memory_space<hbm>>
      tpu.wait_dma2 semaphore(%run_scoped3A : memref<!tpu.dma_semaphore, #tpu.memory_space<semaphore_mem>>) src(%dma_wait3A_23 : memref<640x128xf32, #tpu.memory_space<hbm>>) dst(%dma_wait3A_21 : memref<640x128xf32, #tpu.memory_space<vmem_shared>>)
      tpu.yield
    }) : () -> ()
    %barrier3A = arith.constant 0 : index
    tpu.barrier barrier_id(%barrier3A)
    %scan3A = arith.constant 0 : i32
    %scan3A_5 = arith.constant 0 : i32
    %scan3A_6 = arith.constant 79 : i32
    %scan3A_7 = arith.addi %scan3A_5, %scan3A_6 : i32
    %scan3A_8 = arith.constant 1 : i32
    scf.for %scan3A_18 = %scan3A_5 to %scan3A_7 step %scan3A_8  : i32 {
      %add3A_19 = arith.addi %mul3A_2, %scan3A_18 : i32
      "tpu.region"() ({
        %run_scoped3A_38 = tpu.sem_alloc : memref<!tpu.dma_semaphore, #tpu.memory_space<semaphore_mem>>
        %dma_start3A_39 = arith.constant 0 : i32
        %dma_start3A_40 = arith.constant 0 : i32
        %dma_start3A_41 = tpu.memref_slice %arg4[%add3A_19, %dma_start3A_39, %dma_start3A_40] : memref<2528x2x128xi32, #tpu.memory_space<hbm>> -> memref<1x2x128xi32, #tpu.memory_space<hbm>>
        %dma_start3A_42 = tpu.memref_squeeze %dma_start3A_41 : memref<1x2x128xi32, #tpu.memory_space<hbm>> -> memref<2x128xi32, #tpu.memory_space<hbm>>
        %dma_start3A_43 = arith.constant 0 : i32
        %dma_start3A_44 = arith.constant 0 : i32
        %dma_start3A_45 = tpu.memref_slice %arg4[%add3A_19, %dma_start3A_43, %dma_start3A_44] : memref<2528x2x128xi32, #tpu.memory_space<hbm>> -> memref<1x2x128xi32, #tpu.memory_space<hbm>>
        %dma_start3A_46 = tpu.memref_squeeze %dma_start3A_45 : memref<1x2x128xi32, #tpu.memory_space<hbm>> -> memref<2x128xi32, #tpu.memory_space<hbm>>
        tpu.enqueue_dma source(%dma_start3A_46 : memref<2x128xi32, #tpu.memory_space<hbm>>) target(%arg8 : memref<2x128xi32, #tpu.memory_space<vmem>>) target_semaphore(%run_scoped3A_38 : memref<!tpu.dma_semaphore, #tpu.memory_space<semaphore_mem>>)
        %dma_wait3A_47 = arith.constant 0 : i32
        %dma_wait3A_48 = arith.constant 0 : i32
        %dma_wait3A_49 = tpu.memref_slice %arg4[%add3A_19, %dma_wait3A_47, %dma_wait3A_48] : memref<2528x2x128xi32, #tpu.memory_space<hbm>> -> memref<1x2x128xi32, #tpu.memory_space<hbm>>
        %dma_wait3A_50 = tpu.memref_squeeze %dma_wait3A_49 : memref<1x2x128xi32, #tpu.memory_space<hbm>> -> memref<2x128xi32, #tpu.memory_space<hbm>>
        %dma_wait3A_51 = arith.constant 0 : i32
        %dma_wait3A_52 = arith.constant 0 : i32
        %dma_wait3A_53 = tpu.memref_slice %arg4[%add3A_19, %dma_wait3A_51, %dma_wait3A_52] : memref<2528x2x128xi32, #tpu.memory_space<hbm>> -> memref<1x2x128xi32, #tpu.memory_space<hbm>>
        %dma_wait3A_54 = tpu.memref_squeeze %dma_wait3A_53 : memref<1x2x128xi32, #tpu.memory_space<hbm>> -> memref<2x128xi32, #tpu.memory_space<hbm>>
        tpu.wait_dma2 semaphore(%run_scoped3A_38 : memref<!tpu.dma_semaphore, #tpu.memory_space<semaphore_mem>>) src(%dma_wait3A_54 : memref<2x128xi32, #tpu.memory_space<hbm>>) dst(%arg8 : memref<2x128xi32, #tpu.memory_space<vmem>>)
        tpu.yield
      }) : () -> ()
      "tpu.region"() ({
        %run_scoped3A_38 = tpu.sem_alloc : memref<!tpu.dma_semaphore, #tpu.memory_space<semaphore_mem>>
        %dma_start3A_39 = arith.constant 0 : i32
        %dma_start3A_40 = arith.constant 0 : i32
        %dma_start3A_41 = tpu.memref_slice %arg3[%add3A_19, %dma_start3A_39, %dma_start3A_40] : memref<2528x128x128xf32, #tpu.memory_space<hbm>> -> memref<1x128x128xf32, #tpu.memory_space<hbm>>
        %dma_start3A_42 = tpu.memref_squeeze %dma_start3A_41 : memref<1x128x128xf32, #tpu.memory_space<hbm>> -> memref<128x128xf32, #tpu.memory_space<hbm>>
        %dma_start3A_43 = arith.constant 0 : i32
        %dma_start3A_44 = arith.constant 0 : i32
        %dma_start3A_45 = tpu.memref_slice %arg3[%add3A_19, %dma_start3A_43, %dma_start3A_44] : memref<2528x128x128xf32, #tpu.memory_space<hbm>> -> memref<1x128x128xf32, #tpu.memory_space<hbm>>
        %dma_start3A_46 = tpu.memref_squeeze %dma_start3A_45 : memref<1x128x128xf32, #tpu.memory_space<hbm>> -> memref<128x128xf32, #tpu.memory_space<hbm>>
        tpu.enqueue_dma source(%dma_start3A_46 : memref<128x128xf32, #tpu.memory_space<hbm>>) target(%arg9 : memref<128x128xf32, #tpu.memory_space<vmem>>) target_semaphore(%run_scoped3A_38 : memref<!tpu.dma_semaphore, #tpu.memory_space<semaphore_mem>>)
        %dma_wait3A_47 = arith.constant 0 : i32
        %dma_wait3A_48 = arith.constant 0 : i32
        %dma_wait3A_49 = tpu.memref_slice %arg3[%add3A_19, %dma_wait3A_47, %dma_wait3A_48] : memref<2528x128x128xf32, #tpu.memory_space<hbm>> -> memref<1x128x128xf32, #tpu.memory_space<hbm>>
        %dma_wait3A_50 = tpu.memref_squeeze %dma_wait3A_49 : memref<1x128x128xf32, #tpu.memory_space<hbm>> -> memref<128x128xf32, #tpu.memory_space<hbm>>
        %dma_wait3A_51 = arith.constant 0 : i32
        %dma_wait3A_52 = arith.constant 0 : i32
        %dma_wait3A_53 = tpu.memref_slice %arg3[%add3A_19, %dma_wait3A_51, %dma_wait3A_52] : memref<2528x128x128xf32, #tpu.memory_space<hbm>> -> memref<1x128x128xf32, #tpu.memory_space<hbm>>
        %dma_wait3A_54 = tpu.memref_squeeze %dma_wait3A_53 : memref<1x128x128xf32, #tpu.memory_space<hbm>> -> memref<128x128xf32, #tpu.memory_space<hbm>>
        tpu.wait_dma2 semaphore(%run_scoped3A_38 : memref<!tpu.dma_semaphore, #tpu.memory_space<semaphore_mem>>) src(%dma_wait3A_54 : memref<128x128xf32, #tpu.memory_space<hbm>>) dst(%arg9 : memref<128x128xf32, #tpu.memory_space<vmem>>)
        tpu.yield
      }) : () -> ()
      %dma_start3A = arith.constant 0 : i32
      %dma_start3A_20 = arith.constant 0 : i32
      %dma_start3A_21 = tpu.memref_slice %arg8[%dma_start3A, %dma_start3A_20] : memref<2x128xi32, #tpu.memory_space<vmem>> -> memref<1x128xi32, #tpu.memory_space<vmem>>
      %dma_start3A_22 = tpu.memref_squeeze %dma_start3A_21 : memref<1x128xi32, #tpu.memory_space<vmem>> -> memref<128xi32, #tpu.memory_space<vmem>>
      %dma_start3A_23 = arith.constant 0 : i32
      %dma_start3A_24 = arith.constant 0 : i32
      %dma_start3A_25 = tpu.memref_slice %arg2[%dma_start3A_23, %dma_start3A_24] : memref<10240x128xf32, #tpu.memory_space<hbm>> -> memref<10240x128xf32, #tpu.memory_space<hbm>>
      tpu.enqueue_indirect_dma source(%dma_start3A_25 : memref<10240x128xf32, #tpu.memory_space<hbm>>) target(%arg9 : memref<128x128xf32, #tpu.memory_space<vmem>>) offsets(%dma_start3A_22 : memref<128xi32, #tpu.memory_space<vmem>>) semaphore(%arg11 : memref<!tpu.dma_semaphore, #tpu.memory_space<semaphore_mem>>) {add = true}
      %dma_wait3A = arith.constant 0 : i32
      %dma_wait3A_26 = arith.constant 0 : i32
      %dma_wait3A_27 = tpu.memref_slice %arg8[%dma_wait3A, %dma_wait3A_26] : memref<2x128xi32, #tpu.memory_space<vmem>> -> memref<1x128xi32, #tpu.memory_space<vmem>>
      %dma_wait3A_28 = tpu.memref_squeeze %dma_wait3A_27 : memref<1x128xi32, #tpu.memory_space<vmem>> -> memref<128xi32, #tpu.memory_space<vmem>>
      %dma_wait3A_29 = arith.constant 0 : i32
      %dma_wait3A_30 = arith.constant 0 : i32
      %dma_wait3A_31 = tpu.memref_slice %arg2[%dma_wait3A_29, %dma_wait3A_30] : memref<10240x128xf32, #tpu.memory_space<hbm>> -> memref<10240x128xf32, #tpu.memory_space<hbm>>
      tpu.wait_indirect_dma semaphore(%arg11 : memref<!tpu.dma_semaphore, #tpu.memory_space<semaphore_mem>>) src(%dma_wait3A_31 : memref<10240x128xf32, #tpu.memory_space<hbm>>) dst(%arg9 : memref<128x128xf32, #tpu.memory_space<vmem>>)
      %scan3A_32 = arith.constant 0 : i32
      %scan3A_33 = arith.constant 0 : i32
      %scan3A_34 = arith.constant 128 : i32
      %scan3A_35 = arith.addi %scan3A_33, %scan3A_34 : i32
      %scan3A_36 = arith.constant 2 : i32
      scf.for %scan3A_38 = %scan3A_33 to %scan3A_35 step %scan3A_36  : i32 {
        %get3A = arith.index_cast %scan3A_38 : i32 to index
        %get3A_39 = arith.constant 0 : index
        %get3A_40 = tpu.vector_load %arg9[%get3A, %get3A_39] {strides = array<i32>} : memref<128x128xf32, #tpu.memory_space<vmem>>, vector<1x16xf32>,
        %get3A_41 = vector.shape_cast %get3A_40 : vector<1x16xf32> to vector<16xf32>
        %max3A = arith.constant 0.000000e+00 : f32
        %max3A_42 = vector.broadcast %max3A : f32 to vector<16xf32>
        %max3A_43 = arith.maximumf %get3A_41, %max3A_42 : vector<16xf32>
        %swap3A = arith.index_cast %scan3A_38 : i32 to index
        %swap3A_44 = arith.constant 0 : index
        %swap3A_45 = tpu.vector_load %arg9[%swap3A, %swap3A_44] {strides = array<i32>} : memref<128x128xf32, #tpu.memory_space<vmem>>, vector<1x16xf32>,
        %swap3A_46 = vector.shape_cast %swap3A_45 : vector<1x16xf32> to vector<16xf32>
        %swap3A_47 = vector.shape_cast %max3A_43 : vector<16xf32> to vector<1x16xf32>
        tpu.vector_store %arg9[%swap3A, %swap3A_44], %swap3A_47 {strides = array<i32>} : memref<128x128xf32, #tpu.memory_space<vmem>>, vector<1x16xf32>,
        %get3A_48 = arith.index_cast %scan3A_38 : i32 to index
        %get3A_49 = arith.constant 16 : index
        %get3A_50 = tpu.vector_load %arg9[%get3A_48, %get3A_49] {strides = array<i32>} : memref<128x128xf32, #tpu.memory_space<vmem>>, vector<1x16xf32>,
        %get3A_51 = vector.shape_cast %get3A_50 : vector<1x16xf32> to vector<16xf32>
        %max3A_52 = arith.constant 0.000000e+00 : f32
        %max3A_53 = vector.broadcast %max3A_52 : f32 to vector<16xf32>
        %max3A_54 = arith.maximumf %get3A_51, %max3A_53 : vector<16xf32>
        %swap3A_55 = arith.index_cast %scan3A_38 : i32 to index
        %swap3A_56 = arith.constant 16 : index
        %swap3A_57 = tpu.vector_load %arg9[%swap3A_55, %swap3A_56] {strides = array<i32>} : memref<128x128xf32, #tpu.memory_space<vmem>>, vector<1x16xf32>,
        %swap3A_58 = vector.shape_cast %swap3A_57 : vector<1x16xf32> to vector<16xf32>
        %swap3A_59 = vector.shape_cast %max3A_54 : vector<16xf32> to vector<1x16xf32>
        tpu.vector_store %arg9[%swap3A_55, %swap3A_56], %swap3A_59 {strides = array<i32>} : memref<128x128xf32, #tpu.memory_space<vmem>>, vector<1x16xf32>,
        %get3A_60 = arith.index_cast %scan3A_38 : i32 to index
        %get3A_61 = arith.constant 32 : index
        %get3A_62 = tpu.vector_load %arg9[%get3A_60, %get3A_61] {strides = array<i32>} : memref<128x128xf32, #tpu.memory_space<vmem>>, vector<1x16xf32>,
        %get3A_63 = vector.shape_cast %get3A_62 : vector<1x16xf32> to vector<16xf32>
        %max3A_64 = arith.constant 0.000000e+00 : f32
        %max3A_65 = vector.broadcast %max3A_64 : f32 to vector<16xf32>
        %max3A_66 = arith.maximumf %get3A_63, %max3A_65 : vector<16xf32>
        %swap3A_67 = arith.index_cast %scan3A_38 : i32 to index
        %swap3A_68 = arith.constant 32 : index
        %swap3A_69 = tpu.vector_load %arg9[%swap3A_67, %swap3A_68] {strides = array<i32>} : memref<128x128xf32, #tpu.memory_space<vmem>>, vector<1x16xf32>,
        %swap3A_70 = vector.shape_cast %swap3A_69 : vector<1x16xf32> to vector<16xf32>
        %swap3A_71 = vector.shape_cast %max3A_66 : vector<16xf32> to vector<1x16xf32>
        tpu.vector_store %arg9[%swap3A_67, %swap3A_68], %swap3A_71 {strides = array<i32>} : memref<128x128xf32, #tpu.memory_space<vmem>>, vector<1x16xf32>,
        %get3A_72 = arith.index_cast %scan3A_38 : i32 to index
        %get3A_73 = arith.constant 48 : index
        %get3A_74 = tpu.vector_load %arg9[%get3A_72, %get3A_73] {strides = array<i32>} : memref<128x128xf32, #tpu.memory_space<vmem>>, vector<1x16xf32>,
        %get3A_75 = vector.shape_cast %get3A_74 : vector<1x16xf32> to vector<16xf32>
        %max3A_76 = arith.constant 0.000000e+00 : f32
        %max3A_77 = vector.broadcast %max3A_76 : f32 to vector<16xf32>
        %max3A_78 = arith.maximumf %get3A_75, %max3A_77 : vector<16xf32>
        %swap3A_79 = arith.index_cast %scan3A_38 : i32 to index
        %swap3A_80 = arith.constant 48 : index
        %swap3A_81 = tpu.vector_load %arg9[%swap3A_79, %swap3A_80] {strides = array<i32>} : memref<128x128xf32, #tpu.memory_space<vmem>>, vector<1x16xf32>,
        %swap3A_82 = vector.shape_cast %swap3A_81 : vector<1x16xf32> to vector<16xf32>
        %swap3A_83 = vector.shape_cast %max3A_78 : vector<16xf32> to vector<1x16xf32>
        tpu.vector_store %arg9[%swap3A_79, %swap3A_80], %swap3A_83 {strides = array<i32>} : memref<128x128xf32, #tpu.memory_space<vmem>>, vector<1x16xf32>,
        %get3A_84 = arith.index_cast %scan3A_38 : i32 to index
        %get3A_85 = arith.constant 64 : index
        %get3A_86 = tpu.vector_load %arg9[%get3A_84, %get3A_85] {strides = array<i32>} : memref<128x128xf32, #tpu.memory_space<vmem>>, vector<1x16xf32>,
        %get3A_87 = vector.shape_cast %get3A_86 : vector<1x16xf32> to vector<16xf32>
        %max3A_88 = arith.constant 0.000000e+00 : f32
        %max3A_89 = vector.broadcast %max3A_88 : f32 to vector<16xf32>
        %max3A_90 = arith.maximumf %get3A_87, %max3A_89 : vector<16xf32>
        %swap3A_91 = arith.index_cast %scan3A_38 : i32 to index
        %swap3A_92 = arith.constant 64 : index
        %swap3A_93 = tpu.vector_load %arg9[%swap3A_91, %swap3A_92] {strides = array<i32>} : memref<128x128xf32, #tpu.memory_space<vmem>>, vector<1x16xf32>,
        %swap3A_94 = vector.shape_cast %swap3A_93 : vector<1x16xf32> to vector<16xf32>
        %swap3A_95 = vector.shape_cast %max3A_90 : vector<16xf32> to vector<1x16xf32>
        tpu.vector_store %arg9[%swap3A_91, %swap3A_92], %swap3A_95 {strides = array<i32>} : memref<128x128xf32, #tpu.memory_space<vmem>>, vector<1x16xf32>,
        %get3A_96 = arith.index_cast %scan3A_38 : i32 to index
        %get3A_97 = arith.constant 80 : index
        %get3A_98 = tpu.vector_load %arg9[%get3A_96, %get3A_97] {strides = array<i32>} : memref<128x128xf32, #tpu.memory_space<vmem>>, vector<1x16xf32>,
        %get3A_99 = vector.shape_cast %get3A_98 : vector<1x16xf32> to vector<16xf32>
        %max3A_100 = arith.constant 0.000000e+00 : f32
        %max3A_101 = vector.broadcast %max3A_100 : f32 to vector<16xf32>
        %max3A_102 = arith.maximumf %get3A_99, %max3A_101 : vector<16xf32>
        %swap3A_103 = arith.index_cast %scan3A_38 : i32 to index
        %swap3A_104 = arith.constant 80 : index
        %swap3A_105 = tpu.vector_load %arg9[%swap3A_103, %swap3A_104] {strides = array<i32>} : memref<128x128xf32, #tpu.memory_space<vmem>>, vector<1x16xf32>,
        %swap3A_106 = vector.shape_cast %swap3A_105 : vector<1x16xf32> to vector<16xf32>
        %swap3A_107 = vector.shape_cast %max3A_102 : vector<16xf32> to vector<1x16xf32>
        tpu.vector_store %arg9[%swap3A_103, %swap3A_104], %swap3A_107 {strides = array<i32>} : memref<128x128xf32, #tpu.memory_space<vmem>>, vector<1x16xf32>,
        %get3A_108 = arith.index_cast %scan3A_38 : i32 to index
        %get3A_109 = arith.constant 96 : index
        %get3A_110 = tpu.vector_load %arg9[%get3A_108, %get3A_109] {strides = array<i32>} : memref<128x128xf32, #tpu.memory_space<vmem>>, vector<1x16xf32>,
        %get3A_111 = vector.shape_cast %get3A_110 : vector<1x16xf32> to vector<16xf32>
        %max3A_112 = arith.constant 0.000000e+00 : f32
        %max3A_113 = vector.broadcast %max3A_112 : f32 to vector<16xf32>
        %max3A_114 = arith.maximumf %get3A_111, %max3A_113 : vector<16xf32>
        %swap3A_115 = arith.index_cast %scan3A_38 : i32 to index
        %swap3A_116 = arith.constant 96 : index
        %swap3A_117 = tpu.vector_load %arg9[%swap3A_115, %swap3A_116] {strides = array<i32>} : memref<128x128xf32, #tpu.memory_space<vmem>>, vector<1x16xf32>,
        %swap3A_118 = vector.shape_cast %swap3A_117 : vector<1x16xf32> to vector<16xf32>
        %swap3A_119 = vector.shape_cast %max3A_114 : vector<16xf32> to vector<1x16xf32>
        tpu.vector_store %arg9[%swap3A_115, %swap3A_116], %swap3A_119 {strides = array<i32>} : memref<128x128xf32, #tpu.memory_space<vmem>>, vector<1x16xf32>,
        %get3A_120 = arith.index_cast %scan3A_38 : i32 to index
        %get3A_121 = arith.constant 112 : index
        %get3A_122 = tpu.vector_load %arg9[%get3A_120, %get3A_121] {strides = array<i32>} : memref<128x128xf32, #tpu.memory_space<vmem>>, vector<1x16xf32>,
        %get3A_123 = vector.shape_cast %get3A_122 : vector<1x16xf32> to vector<16xf32>
        %max3A_124 = arith.constant 0.000000e+00 : f32
        %max3A_125 = vector.broadcast %max3A_124 : f32 to vector<16xf32>
        %max3A_126 = arith.maximumf %get3A_123, %max3A_125 : vector<16xf32>
        %swap3A_127 = arith.index_cast %scan3A_38 : i32 to index
        %swap3A_128 = arith.constant 112 : index
        %swap3A_129 = tpu.vector_load %arg9[%swap3A_127, %swap3A_128] {strides = array<i32>} : memref<128x128xf32, #tpu.memory_space<vmem>>, vector<1x16xf32>,
        %swap3A_130 = vector.shape_cast %swap3A_129 : vector<1x16xf32> to vector<16xf32>
        %swap3A_131 = vector.shape_cast %max3A_126 : vector<16xf32> to vector<1x16xf32>
        tpu.vector_store %arg9[%swap3A_127, %swap3A_128], %swap3A_131 {strides = array<i32>} : memref<128x128xf32, #tpu.memory_space<vmem>>, vector<1x16xf32>,
        %scan3A_132 = arith.constant 1 : i32
        %scan3A_133 = arith.addi %scan3A_38, %scan3A_132 : i32
        %get3A_134 = arith.index_cast %scan3A_133 : i32 to index
        %get3A_135 = arith.constant 0 : index
        %get3A_136 = tpu.vector_load %arg9[%get3A_134, %get3A_135] {strides = array<i32>} : memref<128x128xf32, #tpu.memory_space<vmem>>, vector<1x16xf32>,
        %get3A_137 = vector.shape_cast %get3A_136 : vector<1x16xf32> to vector<16xf32>
        %max3A_138 = arith.constant 0.000000e+00 : f32
        %max3A_139 = vector.broadcast %max3A_138 : f32 to vector<16xf32>
        %max3A_140 = arith.maximumf %get3A_137, %max3A_139 : vector<16xf32>
        %swap3A_141 = arith.index_cast %scan3A_133 : i32 to index
        %swap3A_142 = arith.constant 0 : index
        %swap3A_143 = tpu.vector_load %arg9[%swap3A_141, %swap3A_142] {strides = array<i32>} : memref<128x128xf32, #tpu.memory_space<vmem>>, vector<1x16xf32>,
        %swap3A_144 = vector.shape_cast %swap3A_143 : vector<1x16xf32> to vector<16xf32>
        %swap3A_145 = vector.shape_cast %max3A_140 : vector<16xf32> to vector<1x16xf32>
        tpu.vector_store %arg9[%swap3A_141, %swap3A_142], %swap3A_145 {strides = array<i32>} : memref<128x128xf32, #tpu.memory_space<vmem>>, vector<1x16xf32>,
        %get3A_146 = arith.index_cast %scan3A_133 : i32 to index
        %get3A_147 = arith.constant 16 : index
        %get3A_148 = tpu.vector_load %arg9[%get3A_146, %get3A_147] {strides = array<i32>} : memref<128x128xf32, #tpu.memory_space<vmem>>, vector<1x16xf32>,
        %get3A_149 = vector.shape_cast %get3A_148 : vector<1x16xf32> to vector<16xf32>
        %max3A_150 = arith.constant 0.000000e+00 : f32
        %max3A_151 = vector.broadcast %max3A_150 : f32 to vector<16xf32>
        %max3A_152 = arith.maximumf %get3A_149, %max3A_151 : vector<16xf32>
        %swap3A_153 = arith.index_cast %scan3A_133 : i32 to index
        %swap3A_154 = arith.constant 16 : index
        %swap3A_155 = tpu.vector_load %arg9[%swap3A_153, %swap3A_154] {strides = array<i32>} : memref<128x128xf32, #tpu.memory_space<vmem>>, vector<1x16xf32>,
        %swap3A_156 = vector.shape_cast %swap3A_155 : vector<1x16xf32> to vector<16xf32>
        %swap3A_157 = vector.shape_cast %max3A_152 : vector<16xf32> to vector<1x16xf32>
        tpu.vector_store %arg9[%swap3A_153, %swap3A_154], %swap3A_157 {strides = array<i32>} : memref<128x128xf32, #tpu.memory_space<vmem>>, vector<1x16xf32>,
        %get3A_158 = arith.index_cast %scan3A_133 : i32 to index
        %get3A_159 = arith.constant 32 : index
        %get3A_160 = tpu.vector_load %arg9[%get3A_158, %get3A_159] {strides = array<i32>} : memref<128x128xf32, #tpu.memory_space<vmem>>, vector<1x16xf32>,
        %get3A_161 = vector.shape_cast %get3A_160 : vector<1x16xf32> to vector<16xf32>
        %max3A_162 = arith.constant 0.000000e+00 : f32
        %max3A_163 = vector.broadcast %max3A_162 : f32 to vector<16xf32>
        %max3A_164 = arith.maximumf %get3A_161, %max3A_163 : vector<16xf32>
        %swap3A_165 = arith.index_cast %scan3A_133 : i32 to index
        %swap3A_166 = arith.constant 32 : index
        %swap3A_167 = tpu.vector_load %arg9[%swap3A_165, %swap3A_166] {strides = array<i32>} : memref<128x128xf32, #tpu.memory_space<vmem>>, vector<1x16xf32>,
        %swap3A_168 = vector.shape_cast %swap3A_167 : vector<1x16xf32> to vector<16xf32>
        %swap3A_169 = vector.shape_cast %max3A_164 : vector<16xf32> to vector<1x16xf32>
        tpu.vector_store %arg9[%swap3A_165, %swap3A_166], %swap3A_169 {strides = array<i32>} : memref<128x128xf32, #tpu.memory_space<vmem>>, vector<1x16xf32>,
        %get3A_170 = arith.index_cast %scan3A_133 : i32 to index
        %get3A_171 = arith.constant 48 : index
        %get3A_172 = tpu.vector_load %arg9[%get3A_170, %get3A_171] {strides = array<i32>} : memref<128x128xf32, #tpu.memory_space<vmem>>, vector<1x16xf32>,
        %get3A_173 = vector.shape_cast %get3A_172 : vector<1x16xf32> to vector<16xf32>
        %max3A_174 = arith.constant 0.000000e+00 : f32
        %max3A_175 = vector.broadcast %max3A_174 : f32 to vector<16xf32>
        %max3A_176 = arith.maximumf %get3A_173, %max3A_175 : vector<16xf32>
        %swap3A_177 = arith.index_cast %scan3A_133 : i32 to index
        %swap3A_178 = arith.constant 48 : index
        %swap3A_179 = tpu.vector_load %arg9[%swap3A_177, %swap3A_178] {strides = array<i32>} : memref<128x128xf32, #tpu.memory_space<vmem>>, vector<1x16xf32>,
        %swap3A_180 = vector.shape_cast %swap3A_179 : vector<1x16xf32> to vector<16xf32>
        %swap3A_181 = vector.shape_cast %max3A_176 : vector<16xf32> to vector<1x16xf32>
        tpu.vector_store %arg9[%swap3A_177, %swap3A_178], %swap3A_181 {strides = array<i32>} : memref<128x128xf32, #tpu.memory_space<vmem>>, vector<1x16xf32>,
        %get3A_182 = arith.index_cast %scan3A_133 : i32 to index
        %get3A_183 = arith.constant 64 : index
        %get3A_184 = tpu.vector_load %arg9[%get3A_182, %get3A_183] {strides = array<i32>} : memref<128x128xf32, #tpu.memory_space<vmem>>, vector<1x16xf32>,
        %get3A_185 = vector.shape_cast %get3A_184 : vector<1x16xf32> to vector<16xf32>
        %max3A_186 = arith.constant 0.000000e+00 : f32
        %max3A_187 = vector.broadcast %max3A_186 : f32 to vector<16xf32>
        %max3A_188 = arith.maximumf %get3A_185, %max3A_187 : vector<16xf32>
        %swap3A_189 = arith.index_cast %scan3A_133 : i32 to index
        %swap3A_190 = arith.constant 64 : index
        %swap3A_191 = tpu.vector_load %arg9[%swap3A_189, %swap3A_190] {strides = array<i32>} : memref<128x128xf32, #tpu.memory_space<vmem>>, vector<1x16xf32>,
        %swap3A_192 = vector.shape_cast %swap3A_191 : vector<1x16xf32> to vector<16xf32>
        %swap3A_193 = vector.shape_cast %max3A_188 : vector<16xf32> to vector<1x16xf32>
        tpu.vector_store %arg9[%swap3A_189, %swap3A_190], %swap3A_193 {strides = array<i32>} : memref<128x128xf32, #tpu.memory_space<vmem>>, vector<1x16xf32>,
        %get3A_194 = arith.index_cast %scan3A_133 : i32 to index
        %get3A_195 = arith.constant 80 : index
        %get3A_196 = tpu.vector_load %arg9[%get3A_194, %get3A_195] {strides = array<i32>} : memref<128x128xf32, #tpu.memory_space<vmem>>, vector<1x16xf32>,
        %get3A_197 = vector.shape_cast %get3A_196 : vector<1x16xf32> to vector<16xf32>
        %max3A_198 = arith.constant 0.000000e+00 : f32
        %max3A_199 = vector.broadcast %max3A_198 : f32 to vector<16xf32>
        %max3A_200 = arith.maximumf %get3A_197, %max3A_199 : vector<16xf32>
        %swap3A_201 = arith.index_cast %scan3A_133 : i32 to index
        %swap3A_202 = arith.constant 80 : index
        %swap3A_203 = tpu.vector_load %arg9[%swap3A_201, %swap3A_202] {strides = array<i32>} : memref<128x128xf32, #tpu.memory_space<vmem>>, vector<1x16xf32>,
        %swap3A_204 = vector.shape_cast %swap3A_203 : vector<1x16xf32> to vector<16xf32>
        %swap3A_205 = vector.shape_cast %max3A_200 : vector<16xf32> to vector<1x16xf32>
        tpu.vector_store %arg9[%swap3A_201, %swap3A_202], %swap3A_205 {strides = array<i32>} : memref<128x128xf32, #tpu.memory_space<vmem>>, vector<1x16xf32>,
        %get3A_206 = arith.index_cast %scan3A_133 : i32 to index
        %get3A_207 = arith.constant 96 : index
        %get3A_208 = tpu.vector_load %arg9[%get3A_206, %get3A_207] {strides = array<i32>} : memref<128x128xf32, #tpu.memory_space<vmem>>, vector<1x16xf32>,
        %get3A_209 = vector.shape_cast %get3A_208 : vector<1x16xf32> to vector<16xf32>
        %max3A_210 = arith.constant 0.000000e+00 : f32
        %max3A_211 = vector.broadcast %max3A_210 : f32 to vector<16xf32>
        %max3A_212 = arith.maximumf %get3A_209, %max3A_211 : vector<16xf32>
        %swap3A_213 = arith.index_cast %scan3A_133 : i32 to index
        %swap3A_214 = arith.constant 96 : index
        %swap3A_215 = tpu.vector_load %arg9[%swap3A_213, %swap3A_214] {strides = array<i32>} : memref<128x128xf32, #tpu.memory_space<vmem>>, vector<1x16xf32>,
        %swap3A_216 = vector.shape_cast %swap3A_215 : vector<1x16xf32> to vector<16xf32>
        %swap3A_217 = vector.shape_cast %max3A_212 : vector<16xf32> to vector<1x16xf32>
        tpu.vector_store %arg9[%swap3A_213, %swap3A_214], %swap3A_217 {strides = array<i32>} : memref<128x128xf32, #tpu.memory_space<vmem>>, vector<1x16xf32>,
        %get3A_218 = arith.index_cast %scan3A_133 : i32 to index
        %get3A_219 = arith.constant 112 : index
        %get3A_220 = tpu.vector_load %arg9[%get3A_218, %get3A_219] {strides = array<i32>} : memref<128x128xf32, #tpu.memory_space<vmem>>, vector<1x16xf32>,
        %get3A_221 = vector.shape_cast %get3A_220 : vector<1x16xf32> to vector<16xf32>
        %max3A_222 = arith.constant 0.000000e+00 : f32
        %max3A_223 = vector.broadcast %max3A_222 : f32 to vector<16xf32>
        %max3A_224 = arith.maximumf %get3A_221, %max3A_223 : vector<16xf32>
        %swap3A_225 = arith.index_cast %scan3A_133 : i32 to index
        %swap3A_226 = arith.constant 112 : index
        %swap3A_227 = tpu.vector_load %arg9[%swap3A_225, %swap3A_226] {strides = array<i32>} : memref<128x128xf32, #tpu.memory_space<vmem>>, vector<1x16xf32>,
        %swap3A_228 = vector.shape_cast %swap3A_227 : vector<1x16xf32> to vector<16xf32>
        %swap3A_229 = vector.shape_cast %max3A_224 : vector<16xf32> to vector<1x16xf32>
        tpu.vector_store %arg9[%swap3A_225, %swap3A_226], %swap3A_229 {strides = array<i32>} : memref<128x128xf32, #tpu.memory_space<vmem>>, vector<1x16xf32>,
      }
      %scan3A_37 = arith.constant 128 : i32
      %run_scoped3A = arith.constant 1 : i32
      "tpu.region"() ({
        %run_scoped3A_38 = tpu.sem_alloc : memref<!tpu.dma_semaphore, #tpu.memory_space<semaphore_mem>>
        %dma_start3A_39 = arith.constant 0 : i32
        %dma_start3A_40 = tpu.memref_slice %arg8[%run_scoped3A, %dma_start3A_39] : memref<2x128xi32, #tpu.memory_space<vmem>> -> memref<1x128xi32, #tpu.memory_space<vmem>>
        %dma_start3A_41 = tpu.memref_squeeze %dma_start3A_40 : memref<1x128xi32, #tpu.memory_space<vmem>> -> memref<128xi32, #tpu.memory_space<vmem>>
        %dma_start3A_42 = arith.constant 0 : i32
        %dma_start3A_43 = arith.constant 0 : i32
        %dma_start3A_44 = tpu.memref_slice %arg10[%dma_start3A_42, %dma_start3A_43] : memref<10240x128xf32, #tpu.memory_space<vmem_shared>> -> memref<10240x128xf32, #tpu.memory_space<vmem_shared>>
        tpu.enqueue_indirect_dma source(%arg9 : memref<128x128xf32, #tpu.memory_space<vmem>>) target(%dma_start3A_44 : memref<10240x128xf32, #tpu.memory_space<vmem_shared>>) offsets(%dma_start3A_41 : memref<128xi32, #tpu.memory_space<vmem>>) semaphore(%run_scoped3A_38 : memref<!tpu.dma_semaphore, #tpu.memory_space<semaphore_mem>>) {add = true}
        %dma_wait3A_45 = arith.constant 0 : i32
        %dma_wait3A_46 = tpu.memref_slice %arg8[%run_scoped3A, %dma_wait3A_45] : memref<2x128xi32, #tpu.memory_space<vmem>> -> memref<1x128xi32, #tpu.memory_space<vmem>>
        %dma_wait3A_47 = tpu.memref_squeeze %dma_wait3A_46 : memref<1x128xi32, #tpu.memory_space<vmem>> -> memref<128xi32, #tpu.memory_space<vmem>>
        %dma_wait3A_48 = arith.constant 0 : i32
        %dma_wait3A_49 = arith.constant 0 : i32
        %dma_wait3A_50 = tpu.memref_slice %arg10[%dma_wait3A_48, %dma_wait3A_49] : memref<10240x128xf32, #tpu.memory_space<vmem_shared>> -> memref<10240x128xf32, #tpu.memory_space<vmem_shared>>
        tpu.wait_indirect_dma semaphore(%run_scoped3A_38 : memref<!tpu.dma_semaphore, #tpu.memory_space<semaphore_mem>>) src(%arg9 : memref<128x128xf32, #tpu.memory_space<vmem>>) dst(%dma_wait3A_50 : memref<10240x128xf32, #tpu.memory_space<vmem_shared>>)
        tpu.yield
      }) : () -> ()
    }
    %scan3A_9 = arith.constant 79 : i32
    %barrier3A_10 = arith.constant 0 : index
    tpu.barrier barrier_id(%barrier3A_10)
    %eq3A = arith.constant 0 : i32
    %eq3A_11 = arith.cmpi eq, %arg0, %eq3A : i32
    %convert_element_type3A = arith.extui %eq3A_11 : i1 to i32
    %cond3A = arith.constant 0 : i32
    %cond3A_12 = arith.cmpi ne, %convert_element_type3A, %cond3A : i32
    scf.if %cond3A_12 {
      "tpu.region"() ({
        %run_scoped3A = tpu.sem_alloc : memref<!tpu.dma_semaphore, #tpu.memory_space<semaphore_mem>>
        %dma_start3A = arith.constant 0 : i32
        %dma_start3A_18 = tpu.memref_slice %arg6[%mul3A_4, %dma_start3A] : memref<10240x128xf32, #tpu.memory_space<hbm>> -> memref<640x128xf32, #tpu.memory_space<hbm>>
        %dma_start3A_19 = arith.constant 0 : i32
        %dma_start3A_20 = tpu.memref_slice %arg10[%mul3A_4, %dma_start3A_19] : memref<10240x128xf32, #tpu.memory_space<vmem_shared>> -> memref<640x128xf32, #tpu.memory_space<vmem_shared>>
        tpu.enqueue_dma source(%dma_start3A_20 : memref<640x128xf32, #tpu.memory_space<vmem_shared>>) target(%dma_start3A_18 : memref<640x128xf32, #tpu.memory_space<hbm>>) target_semaphore(%run_scoped3A : memref<!tpu.dma_semaphore, #tpu.memory_space<semaphore_mem>>)
        %dma_wait3A = arith.constant 0 : i32
        %dma_wait3A_21 = tpu.memref_slice %arg6[%mul3A_4, %dma_wait3A] : memref<10240x128xf32, #tpu.memory_space<hbm>> -> memref<640x128xf32, #tpu.memory_space<hbm>>
        %dma_wait3A_22 = arith.constant 0 : i32
        %dma_wait3A_23 = tpu.memref_slice %arg10[%mul3A_4, %dma_wait3A_22] : memref<10240x128xf32, #tpu.memory_space<vmem_shared>> -> memref<640x128xf32, #tpu.memory_space<vmem_shared>>
        tpu.wait_dma2 semaphore(%run_scoped3A : memref<!tpu.dma_semaphore, #tpu.memory_space<semaphore_mem>>) src(%dma_wait3A_23 : memref<640x128xf32, #tpu.memory_space<vmem_shared>>) dst(%dma_wait3A_21 : memref<640x128xf32, #tpu.memory_space<hbm>>)
        tpu.yield
      }) : () -> ()
    } else {
    }
    %eq3A_13 = arith.constant 1 : i32
    %eq3A_14 = arith.cmpi eq, %arg0, %eq3A_13 : i32
    %convert_element_type3A_15 = arith.extui %eq3A_14 : i1 to i32
    %cond3A_16 = arith.constant 0 : i32
    %cond3A_17 = arith.cmpi ne, %convert_element_type3A_15, %cond3A_16 : i32
    scf.if %cond3A_17 {
      "tpu.region"() ({
        %run_scoped3A = tpu.sem_alloc : memref<!tpu.dma_semaphore, #tpu.memory_space<semaphore_mem>>
        %dma_start3A = arith.constant 0 : i32
        %dma_start3A_18 = tpu.memref_slice %arg7[%mul3A_4, %dma_start3A] : memref<10240x128xf32, #tpu.memory_space<hbm>> -> memref<640x128xf32, #tpu.memory_space<hbm>>
        %dma_start3A_19 = arith.constant 0 : i32
        %dma_start3A_20 = tpu.memref_slice %arg10[%mul3A_4, %dma_start3A_19] : memref<10240x128xf32, #tpu.memory_space<vmem_shared>> -> memref<640x128xf32, #tpu.memory_space<vmem_shared>>
        tpu.enqueue_dma source(%dma_start3A_20 : memref<640x128xf32, #tpu.memory_space<vmem_shared>>) target(%dma_start3A_18 : memref<640x128xf32, #tpu.memory_space<hbm>>) target_semaphore(%run_scoped3A : memref<!tpu.dma_semaphore, #tpu.memory_space<semaphore_mem>>)
        %dma_wait3A = arith.constant 0 : i32
        %dma_wait3A_21 = tpu.memref_slice %arg7[%mul3A_4, %dma_wait3A] : memref<10240x128xf32, #tpu.memory_space<hbm>> -> memref<640x128xf32, #tpu.memory_space<hbm>>
        %dma_wait3A_22 = arith.constant 0 : i32
        %dma_wait3A_23 = tpu.memref_slice %arg10[%mul3A_4, %dma_wait3A_22] : memref<10240x128xf32, #tpu.memory_space<vmem_shared>> -> memref<640x128xf32, #tpu.memory_space<vmem_shared>>
        tpu.wait_dma2 semaphore(%run_scoped3A : memref<!tpu.dma_semaphore, #tpu.memory_space<semaphore_mem>>) src(%dma_wait3A_23 : memref<640x128xf32, #tpu.memory_space<vmem_shared>>) dst(%dma_wait3A_21 : memref<640x128xf32, #tpu.memory_space<hbm>>)
        tpu.yield
      }) : () -> ()
    } else {
    }
    return
  }
}

module attributes {stable_mosaic.version = 14 : i64} {
  func.func @_enc_body(%arg0: i32, %arg1: memref<1024x16xf32, #tpu.memory_space<vmem>>, %arg2: memref<3x16x128xf32, #tpu.memory_space<vmem>>, %arg3: memref<3x128xf32, #tpu.memory_space<vmem>>, %arg4: memref<1024x128xf32, #tpu.memory_space<vmem>>, %arg5: memref<1024x128xf32, #tpu.memory_space<vmem>>, %arg6: memref<1024x128xf32, #tpu.memory_space<vmem>>) attributes {dimension_semantics = [#tpu.dimension_semantics<arbitrary>], iteration_bounds = array<i64: 316>, scalar_prefetch = 0 : i64, scratch_operands = 0 : i64, tpu.core_type = #tpu.core_type<tc>, window_params = [{transform_indices = @transform_0, window_bounds = array<i64: 1024, 16>}, {pipeline_mode = #tpu.pipeline_mode<synchronous>, transform_indices = @transform_1, window_bounds = array<i64: 3, 16, 128>}, {pipeline_mode = #tpu.pipeline_mode<synchronous>, transform_indices = @transform_2, window_bounds = array<i64: 3, 128>}, {transform_indices = @transform_3, window_bounds = array<i64: 1024, 128>}, {transform_indices = @transform_4, window_bounds = array<i64: 1024, 128>}, {transform_indices = @transform_5, window_bounds = array<i64: 1024, 128>}]} {
    %get3A = arith.constant 0 : index
    %get3A_0 = arith.constant 0 : index
    %get3A_1 = vector.load %arg1[%get3A, %get3A_0] : memref<1024x16xf32, #tpu.memory_space<vmem>>, vector<1024x16xf32>
    %get3A_2 = arith.constant 0 : index
    %get3A_3 = arith.constant 0 : index
    %get3A_4 = arith.constant 0 : index
    %get3A_5 = vector.load %arg2[%get3A_2, %get3A_3, %get3A_4] : memref<3x16x128xf32, #tpu.memory_space<vmem>>, vector<1x16x128xf32>
    %get3A_6 = vector.shape_cast %get3A_5 : vector<1x16x128xf32> to vector<16x128xf32>
    %dot_general3A = arith.constant dense<0.000000e+00> : vector<1024x128xf32>
    %dot_general3A_7 = tpu.matmul %get3A_1, %get3A_6, %dot_general3A {dimension_numbers = #tpu.dot_dimension_numbers<[1], [0], [0], [1], [0, 0, 1, 1], [], []>, transpose_lhs_hint = false} : vector<1024x16xf32>, vector<16x128xf32>, vector<1024x128xf32> -> vector<1024x128xf32>
    %get3A_8 = arith.constant 0 : index
    %get3A_9 = arith.constant 0 : index
    %get3A_10 = vector.load %arg3[%get3A_8, %get3A_9] : memref<3x128xf32, #tpu.memory_space<vmem>>, vector<1x128xf32>
    %get3A_11 = vector.shape_cast %get3A_10 : vector<1x128xf32> to vector<128xf32>
    %broadcast_in_dim3A = vector.shape_cast %get3A_11 : vector<128xf32> to vector<1x128xf32>
    %add3A = vector.broadcast %broadcast_in_dim3A : vector<1x128xf32> to vector<1024x128xf32>
    %add3A_12 = arith.addf %dot_general3A_7, %add3A : vector<1024x128xf32>
    %swap3A = arith.constant 0 : index
    %swap3A_13 = arith.constant 0 : index
    %swap3A_14 = vector.load %arg4[%swap3A, %swap3A_13] : memref<1024x128xf32, #tpu.memory_space<vmem>>, vector<1024x128xf32>
    tpu.vector_store %arg4[%swap3A, %swap3A_13], %add3A_12 {strides = array<i32>} : memref<1024x128xf32, #tpu.memory_space<vmem>>, vector<1024x128xf32>,
    %get3A_15 = arith.constant 1 : index
    %get3A_16 = arith.constant 0 : index
    %get3A_17 = arith.constant 0 : index
    %get3A_18 = vector.load %arg2[%get3A_15, %get3A_16, %get3A_17] : memref<3x16x128xf32, #tpu.memory_space<vmem>>, vector<1x16x128xf32>
    %get3A_19 = vector.shape_cast %get3A_18 : vector<1x16x128xf32> to vector<16x128xf32>
    %dot_general3A_20 = arith.constant dense<0.000000e+00> : vector<1024x128xf32>
    %dot_general3A_21 = tpu.matmul %get3A_1, %get3A_19, %dot_general3A_20 {dimension_numbers = #tpu.dot_dimension_numbers<[1], [0], [0], [1], [0, 0, 1, 1], [], []>, transpose_lhs_hint = false} : vector<1024x16xf32>, vector<16x128xf32>, vector<1024x128xf32> -> vector<1024x128xf32>
    %get3A_22 = arith.constant 1 : index
    %get3A_23 = arith.constant 0 : index
    %get3A_24 = vector.load %arg3[%get3A_22, %get3A_23] : memref<3x128xf32, #tpu.memory_space<vmem>>, vector<1x128xf32>
    %get3A_25 = vector.shape_cast %get3A_24 : vector<1x128xf32> to vector<128xf32>
    %broadcast_in_dim3A_26 = vector.shape_cast %get3A_25 : vector<128xf32> to vector<1x128xf32>
    %add3A_27 = vector.broadcast %broadcast_in_dim3A_26 : vector<1x128xf32> to vector<1024x128xf32>
    %add3A_28 = arith.addf %dot_general3A_21, %add3A_27 : vector<1024x128xf32>
    %swap3A_29 = arith.constant 0 : index
    %swap3A_30 = arith.constant 0 : index
    %swap3A_31 = vector.load %arg5[%swap3A_29, %swap3A_30] : memref<1024x128xf32, #tpu.memory_space<vmem>>, vector<1024x128xf32>
    tpu.vector_store %arg5[%swap3A_29, %swap3A_30], %add3A_28 {strides = array<i32>} : memref<1024x128xf32, #tpu.memory_space<vmem>>, vector<1024x128xf32>,
    %get3A_32 = arith.constant 2 : index
    %get3A_33 = arith.constant 0 : index
    %get3A_34 = arith.constant 0 : index
    %get3A_35 = vector.load %arg2[%get3A_32, %get3A_33, %get3A_34] : memref<3x16x128xf32, #tpu.memory_space<vmem>>, vector<1x16x128xf32>
    %get3A_36 = vector.shape_cast %get3A_35 : vector<1x16x128xf32> to vector<16x128xf32>
    %dot_general3A_37 = arith.constant dense<0.000000e+00> : vector<1024x128xf32>
    %dot_general3A_38 = tpu.matmul %get3A_1, %get3A_36, %dot_general3A_37 {dimension_numbers = #tpu.dot_dimension_numbers<[1], [0], [0], [1], [0, 0, 1, 1], [], []>, transpose_lhs_hint = false} : vector<1024x16xf32>, vector<16x128xf32>, vector<1024x128xf32> -> vector<1024x128xf32>
    %get3A_39 = arith.constant 2 : index
    %get3A_40 = arith.constant 0 : index
    %get3A_41 = vector.load %arg3[%get3A_39, %get3A_40] : memref<3x128xf32, #tpu.memory_space<vmem>>, vector<1x128xf32>
    %get3A_42 = vector.shape_cast %get3A_41 : vector<1x128xf32> to vector<128xf32>
    %broadcast_in_dim3A_43 = vector.shape_cast %get3A_42 : vector<128xf32> to vector<1x128xf32>
    %add3A_44 = vector.broadcast %broadcast_in_dim3A_43 : vector<1x128xf32> to vector<1024x128xf32>
    %add3A_45 = arith.addf %dot_general3A_38, %add3A_44 : vector<1024x128xf32>
    %swap3A_46 = arith.constant 0 : index
    %swap3A_47 = arith.constant 0 : index
    %swap3A_48 = vector.load %arg6[%swap3A_46, %swap3A_47] : memref<1024x128xf32, #tpu.memory_space<vmem>>, vector<1024x128xf32>
    tpu.vector_store %arg6[%swap3A_46, %swap3A_47], %add3A_45 {strides = array<i32>} : memref<1024x128xf32, #tpu.memory_space<vmem>>, vector<1024x128xf32>,
    return
  }
  func.func @transform_0(%arg0: i32) -> (i32, i32) {
    %c0_i32 = arith.constant 0 : i32
    %c0_i32_0 = arith.constant 0 : i32
    return %arg0, %c0_i32 : i32, i32
  }
  func.func @transform_1(%arg0: i32) -> (i32, i32, i32) {
    %c0_i32 = arith.constant 0 : i32
    %c0_i32_0 = arith.constant 0 : i32
    %c0_i32_1 = arith.constant 0 : i32
    %c0_i32_2 = arith.constant 0 : i32
    return %c0_i32, %c0_i32_0, %c0_i32_1 : i32, i32, i32
  }
  func.func @transform_2(%arg0: i32) -> (i32, i32) {
    %c0_i32 = arith.constant 0 : i32
    %c0_i32_0 = arith.constant 0 : i32
    %c0_i32_1 = arith.constant 0 : i32
    return %c0_i32, %c0_i32_0 : i32, i32
  }
  func.func @transform_3(%arg0: i32) -> (i32, i32) {
    %c0_i32 = arith.constant 0 : i32
    %c0_i32_0 = arith.constant 0 : i32
    return %arg0, %c0_i32 : i32, i32
  }
  func.func @transform_4(%arg0: i32) -> (i32, i32) {
    %c0_i32 = arith.constant 0 : i32
    %c0_i32_0 = arith.constant 0 : i32
    return %arg0, %c0_i32 : i32, i32
  }
  func.func @transform_5(%arg0: i32) -> (i32, i32) {
    %c0_i32 = arith.constant 0 : i32
    %c0_i32_0 = arith.constant 0 : i32
    return %arg0, %c0_i32 : i32, i32
  }
}

module attributes {stable_mosaic.version = 14 : i64} {
  func.func @_mlp_body(%arg0: i32, %arg1: memref<1x1xf32, #tpu.memory_space<smem>>, %arg2: memref<1024x128xf32, #tpu.memory_space<vmem>>, %arg3: memref<1024x128xf32, #tpu.memory_space<vmem>>, %arg4: memref<1024x128xf32, #tpu.memory_space<vmem>>, %arg5: memref<128x256xf32, #tpu.memory_space<vmem>>, %arg6: memref<1x256xf32, #tpu.memory_space<vmem>>, %arg7: memref<256x128xf32, #tpu.memory_space<vmem>>, %arg8: memref<1x128xf32, #tpu.memory_space<vmem>>, %arg9: memref<1024x128xf32, #tpu.memory_space<vmem>>) attributes {dimension_semantics = [#tpu.dimension_semantics<arbitrary>], iteration_bounds = array<i64: 10>, scalar_prefetch = 0 : i64, scratch_operands = 0 : i64, tpu.core_type = #tpu.core_type<tc>, window_params = [{transform_indices = @transform_0, window_bounds = array<i64: 1, 1>}, {transform_indices = @transform_1, window_bounds = array<i64: 1024, 128>}, {transform_indices = @transform_2, window_bounds = array<i64: 1024, 128>}, {transform_indices = @transform_3, window_bounds = array<i64: 1024, 128>}, {pipeline_mode = #tpu.pipeline_mode<synchronous>, transform_indices = @transform_4, window_bounds = array<i64: 128, 256>}, {pipeline_mode = #tpu.pipeline_mode<synchronous>, transform_indices = @transform_5, window_bounds = array<i64: 1, 256>}, {pipeline_mode = #tpu.pipeline_mode<synchronous>, transform_indices = @transform_6, window_bounds = array<i64: 256, 128>}, {pipeline_mode = #tpu.pipeline_mode<synchronous>, transform_indices = @transform_7, window_bounds = array<i64: 1, 128>}, {transform_indices = @transform_8, window_bounds = array<i64: 1024, 128>}]} {
    %get3A = arith.constant 0 : index
    %get3A_0 = arith.constant 0 : index
    %get3A_1 = vector.load %arg2[%get3A, %get3A_0] : memref<1024x128xf32, #tpu.memory_space<vmem>>, vector<1024x128xf32>
    %get3A_2 = arith.constant 0 : index
    %get3A_3 = arith.constant 0 : index
    %get3A_4 = memref.load %arg1[%get3A_2, %get3A_3] : memref<1x1xf32, #tpu.memory_space<smem>>
    %add3A = arith.constant 1.000000e+00 : f32
    %add3A_5 = arith.addf %add3A, %get3A_4 : f32
    %mul3A = vector.broadcast %add3A_5 : f32 to vector<1024x128xf32>
    %mul3A_6 = arith.mulf %get3A_1, %mul3A : vector<1024x128xf32>
    %get3A_7 = arith.constant 0 : index
    %get3A_8 = arith.constant 0 : index
    %get3A_9 = vector.load %arg3[%get3A_7, %get3A_8] : memref<1024x128xf32, #tpu.memory_space<vmem>>, vector<1024x128xf32>
    %add3A_10 = arith.addf %mul3A_6, %get3A_9 : vector<1024x128xf32>
    %get3A_11 = arith.constant 0 : index
    %get3A_12 = arith.constant 0 : index
    %get3A_13 = vector.load %arg4[%get3A_11, %get3A_12] : memref<1024x128xf32, #tpu.memory_space<vmem>>, vector<1024x128xf32>
    %add3A_14 = arith.addf %add3A_10, %get3A_13 : vector<1024x128xf32>
    %get3A_15 = arith.constant 0 : index
    %get3A_16 = arith.constant 0 : index
    %get3A_17 = vector.load %arg5[%get3A_15, %get3A_16] : memref<128x256xf32, #tpu.memory_space<vmem>>, vector<128x256xf32>
    %dot_general3A = arith.constant dense<0.000000e+00> : vector<1024x256xf32>
    %dot_general3A_18 = tpu.matmul %add3A_14, %get3A_17, %dot_general3A {dimension_numbers = #tpu.dot_dimension_numbers<[1], [0], [0], [1], [0, 0, 1, 1], [], []>, transpose_lhs_hint = false} : vector<1024x128xf32>, vector<128x256xf32>, vector<1024x256xf32> -> vector<1024x256xf32>
    %get3A_19 = arith.constant 0 : index
    %get3A_20 = arith.constant 0 : index
    %get3A_21 = vector.load %arg6[%get3A_19, %get3A_20] : memref<1x256xf32, #tpu.memory_space<vmem>>, vector<1x256xf32>
    %add3A_22 = vector.broadcast %get3A_21 : vector<1x256xf32> to vector<1024x256xf32>
    %add3A_23 = arith.addf %dot_general3A_18, %add3A_22 : vector<1024x256xf32>
    %max3A = arith.constant 0.000000e+00 : f32
    %max3A_24 = vector.broadcast %max3A : f32 to vector<1024x256xf32>
    %max3A_25 = arith.maximumf %add3A_23, %max3A_24 : vector<1024x256xf32>
    %get3A_26 = arith.constant 0 : index
    %get3A_27 = arith.constant 0 : index
    %get3A_28 = vector.load %arg7[%get3A_26, %get3A_27] : memref<256x128xf32, #tpu.memory_space<vmem>>, vector<256x128xf32>
    %dot_general3A_29 = arith.constant dense<0.000000e+00> : vector<1024x128xf32>
    %dot_general3A_30 = tpu.matmul %max3A_25, %get3A_28, %dot_general3A_29 {dimension_numbers = #tpu.dot_dimension_numbers<[1], [0], [0], [1], [0, 0, 1, 1], [], []>, transpose_lhs_hint = false} : vector<1024x256xf32>, vector<256x128xf32>, vector<1024x128xf32> -> vector<1024x128xf32>
    %get3A_31 = arith.constant 0 : index
    %get3A_32 = arith.constant 0 : index
    %get3A_33 = vector.load %arg8[%get3A_31, %get3A_32] : memref<1x128xf32, #tpu.memory_space<vmem>>, vector<1x128xf32>
    %add3A_34 = vector.broadcast %get3A_33 : vector<1x128xf32> to vector<1024x128xf32>
    %add3A_35 = arith.addf %dot_general3A_30, %add3A_34 : vector<1024x128xf32>
    %swap3A = arith.constant 0 : index
    %swap3A_36 = arith.constant 0 : index
    %swap3A_37 = vector.load %arg9[%swap3A, %swap3A_36] : memref<1024x128xf32, #tpu.memory_space<vmem>>, vector<1024x128xf32>
    tpu.vector_store %arg9[%swap3A, %swap3A_36], %add3A_35 {strides = array<i32>} : memref<1024x128xf32, #tpu.memory_space<vmem>>, vector<1024x128xf32>,
    return
  }
  func.func @transform_0(%arg0: i32) -> (i32, i32) {
    %c0_i32 = arith.constant 0 : i32
    %c0_i32_0 = arith.constant 0 : i32
    %c0_i32_1 = arith.constant 0 : i32
    return %c0_i32, %c0_i32_0 : i32, i32
  }
  func.func @transform_1(%arg0: i32) -> (i32, i32) {
    %c0_i32 = arith.constant 0 : i32
    %c0_i32_0 = arith.constant 0 : i32
    return %arg0, %c0_i32 : i32, i32
  }
  func.func @transform_2(%arg0: i32) -> (i32, i32) {
    %c0_i32 = arith.constant 0 : i32
    %c0_i32_0 = arith.constant 0 : i32
    return %arg0, %c0_i32 : i32, i32
  }
  func.func @transform_3(%arg0: i32) -> (i32, i32) {
    %c0_i32 = arith.constant 0 : i32
    %c0_i32_0 = arith.constant 0 : i32
    return %arg0, %c0_i32 : i32, i32
  }
  func.func @transform_4(%arg0: i32) -> (i32, i32) {
    %c0_i32 = arith.constant 0 : i32
    %c0_i32_0 = arith.constant 0 : i32
    %c0_i32_1 = arith.constant 0 : i32
    return %c0_i32, %c0_i32_0 : i32, i32
  }
  func.func @transform_5(%arg0: i32) -> (i32, i32) {
    %c0_i32 = arith.constant 0 : i32
    %c0_i32_0 = arith.constant 0 : i32
    %c0_i32_1 = arith.constant 0 : i32
    return %c0_i32, %c0_i32_0 : i32, i32
  }
  func.func @transform_6(%arg0: i32) -> (i32, i32) {
    %c0_i32 = arith.constant 0 : i32
    %c0_i32_0 = arith.constant 0 : i32
    %c0_i32_1 = arith.constant 0 : i32
    return %c0_i32, %c0_i32_0 : i32, i32
  }
  func.func @transform_7(%arg0: i32) -> (i32, i32) {
    %c0_i32 = arith.constant 0 : i32
    %c0_i32_0 = arith.constant 0 : i32
    %c0_i32_1 = arith.constant 0 : i32
    return %c0_i32, %c0_i32_0 : i32, i32
  }
  func.func @transform_8(%arg0: i32) -> (i32, i32) {
    %c0_i32 = arith.constant 0 : i32
    %c0_i32_0 = arith.constant 0 : i32
    return %arg0, %c0_i32 : i32, i32
  }
}

module attributes {stable_mosaic.version = 14 : i64} {
  func.func @_pool_body(%arg0: memref<10240x1xi32, #tpu.memory_space<vmem>>, %arg1: memref<10240x128xf32, #tpu.memory_space<vmem>>, %arg2: memref<128x64xf32, #tpu.memory_space<vmem>>, %arg3: memref<1x64xf32, #tpu.memory_space<vmem>>, %arg4: memref<64x1xf32, #tpu.memory_space<vmem>>, %arg5: memref<1x1xf32, #tpu.memory_space<vmem>>, %arg6: memref<64x1xf32, #tpu.memory_space<vmem>>) attributes {dimension_semantics = [], scalar_prefetch = 0 : i64, scratch_operands = 0 : i64, tpu.core_type = #tpu.core_type<tc>} {
    %get3A = arith.constant 0 : index
    %get3A_0 = arith.constant 0 : index
    %get3A_1 = vector.load %arg0[%get3A, %get3A_0] : memref<10240x1xi32, #tpu.memory_space<vmem>>, vector<10240x1xi32>
    %iota3A = tpu.iota {dimensions = array<i32: 1>} : vector<10240x64xi32>
    %eq3A = vector.broadcast %get3A_1 : vector<10240x1xi32> to vector<10240x64xi32>
    %eq3A_2 = arith.cmpi eq, %eq3A, %iota3A : vector<10240x64xi32>
    %convert_element_type3A = arith.extui %eq3A_2 : vector<10240x64xi1> to vector<10240x64xi32>
    %convert_element_type3A_3 = arith.sitofp %convert_element_type3A : vector<10240x64xi32> to vector<10240x64xf32>
    %get3A_4 = arith.constant 0 : index
    %get3A_5 = arith.constant 0 : index
    %get3A_6 = vector.load %arg1[%get3A_4, %get3A_5] : memref<10240x128xf32, #tpu.memory_space<vmem>>, vector<10240x128xf32>
    %dot_general3A = arith.constant dense<0.000000e+00> : vector<64x128xf32>
    %dot_general3A_7 = tpu.matmul %convert_element_type3A_3, %get3A_6, %dot_general3A {dimension_numbers = #tpu.dot_dimension_numbers<[0], [0], [1], [1], [0, 1, 1, 1], [], []>, transpose_lhs_hint = false} : vector<10240x64xf32>, vector<10240x128xf32>, vector<64x128xf32> -> vector<64x128xf32>
    %get3A_8 = arith.constant 0 : index
    %get3A_9 = arith.constant 0 : index
    %get3A_10 = vector.load %arg2[%get3A_8, %get3A_9] : memref<128x64xf32, #tpu.memory_space<vmem>>, vector<128x64xf32>
    %dot_general3A_11 = arith.constant dense<0.000000e+00> : vector<64x64xf32>
    %dot_general3A_12 = tpu.matmul %dot_general3A_7, %get3A_10, %dot_general3A_11 {dimension_numbers = #tpu.dot_dimension_numbers<[1], [0], [0], [1], [0, 0, 1, 1], [], []>, transpose_lhs_hint = false} : vector<64x128xf32>, vector<128x64xf32>, vector<64x64xf32> -> vector<64x64xf32>
    %get3A_13 = arith.constant 0 : index
    %get3A_14 = arith.constant 0 : index
    %get3A_15 = vector.load %arg3[%get3A_13, %get3A_14] : memref<1x64xf32, #tpu.memory_space<vmem>>, vector<1x64xf32>
    %add3A = vector.broadcast %get3A_15 : vector<1x64xf32> to vector<64x64xf32>
    %add3A_16 = arith.addf %dot_general3A_12, %add3A : vector<64x64xf32>
    %max3A = arith.constant 0.000000e+00 : f32
    %max3A_17 = vector.broadcast %max3A : f32 to vector<64x64xf32>
    %max3A_18 = arith.maximumf %add3A_16, %max3A_17 : vector<64x64xf32>
    %get3A_19 = arith.constant 0 : index
    %get3A_20 = arith.constant 0 : index
    %get3A_21 = vector.load %arg4[%get3A_19, %get3A_20] : memref<64x1xf32, #tpu.memory_space<vmem>>, vector<64x1xf32>
    %dot_general3A_22 = arith.constant dense<0.000000e+00> : vector<64x1xf32>
    %dot_general3A_23 = tpu.matmul %max3A_18, %get3A_21, %dot_general3A_22 {dimension_numbers = #tpu.dot_dimension_numbers<[1], [0], [0], [1], [0, 0, 1, 1], [], []>, transpose_lhs_hint = false} : vector<64x64xf32>, vector<64x1xf32>, vector<64x1xf32> -> vector<64x1xf32>
    %get3A_24 = arith.constant 0 : index
    %get3A_25 = arith.constant 0 : index
    %get3A_26 = vector.load %arg5[%get3A_24, %get3A_25] : memref<1x1xf32, #tpu.memory_space<vmem>>, vector<1x1xf32>
    %add3A_27 = vector.broadcast %get3A_26 : vector<1x1xf32> to vector<64x1xf32>
    %add3A_28 = arith.addf %dot_general3A_23, %add3A_27 : vector<64x1xf32>
    %swap3A = arith.constant 0 : index
    %swap3A_29 = arith.constant 0 : index
    %swap3A_30 = vector.load %arg6[%swap3A, %swap3A_29] : memref<64x1xf32, #tpu.memory_space<vmem>>, vector<64x1xf32>
    tpu.vector_store %arg6[%swap3A, %swap3A_29], %add3A_28 {strides = array<i32>} : memref<64x1xf32, #tpu.memory_space<vmem>>, vector<64x1xf32>,
    return
  }
}

</mosaic_0001>

<sc_bundles>
// kernel: kernel.10.cloned.1.call-start
scs
__scs_entry_jumppad:
0x0: {  	(pc) =	sbr.rel $0x88, $3  }
0x1: {  	(tag) =	ssettag $0x0;
	lr =	simm.s32 $0x1  }
0x2: {  	[smem:$0x3F84] =	sst lr;
	_ =	strace $0xD0000000  }
0x3: {  	_ = 	snop  }
0x4: {  	_ = 	snop  }
0x5: {  	_ = 	snop  }
0x6: {  	_ = 	snop  }
0x7: {  	_ = 	snop  }
__scs_overlays_trampoline_lowered:
0x8: {  	[smem:$0x3F93] =	sst s0  }
0x9: {  	[smem:$0x3F94] =	sst s1  }
0xa: {  	[smem:$0x3F95] =	sst s2  }
0xb: {  	[smem:$0x3F96] =	sst s3  }
0xc: {  	[smem:$0x3F97] =	sst s4  }
0xd: {  	[smem:$0x3F98] =	sst s5  }
0xe: {  	[smem:$0x3F99] =	sst s6  }
0xf: {  	[smem:$0x3F9A] =	sst s7  }
0x10: {  	[smem:$0x3F9B] =	sst s8  }
0x11: {  	[smem:$0x3F9C] =	sst s9;
	s0 =	simm.s32 @!p0 $0x0  }
0x12: {  	s1 =	sld [smem:$0x3F82];
	s0 =	simm.s32 @p0 $0x1  }
0x13: {  	[smem:$0x3F9D] =	sst s0;
	s0 =	simm.s32 @!p1 $0x0  }
0x14: {  	s2 =	sld [smem:$0x3F81];
	s0 =	simm.s32 @p1 $0x1  }
0x15: {  	[smem:$0x3F9E] =	sst s0;
	s0 =	simm.s32 @!p2 $0x0  }
0x16: {  	s3 =	sld [smem:$0x3FDB];
	s0 =	simm.s32 @p2 $0x1  }
0x17: {  	s4 =	simm.s32 $0x1BF5;
	[smem:$0x3FA0] =	sst s0  }
0x18: {  	s0 =	sld [smem:$0x3F83];
	_ =	swait.ge [sflag:s4], $0x0  }
0x19: {  	s7 =	sld [smem:$0x3F84]  }
0x1a: {  	s8 =	sadd.s32 $0xFFFFE003, lr  }
0x1b: {  	s9 =	sadd.s32 $0xFFFFFEF7, lr;
	s5 =	simm.s32 $0xFFFFFFFF;
	p2 =	slt.u32 s8, $0xFFFFF086  }
0x1c: {  	p1 =	slt.u32 s9, $0xF7A;
	s5 =	simm.s32 @!p2 $0x0  }
0x1d: {  	s5 =	simm.s32 @p1 $0x1;
	p0 =	seq.s32 s7, s2  }
0x1e: {  	s7 =	smul.u32 @!p0 $0xF7A, s2;
	p2 =	seq.s32 @!p0 s5, $0x0  }
0x1f: {  	s9 =	smul.u32 $0xF7A, s1;
	s8 =	simm.s32 @!p0 $0x1BF5;
	p2 =	por !p2, p0  }
0x20: {  	[sflag:s8] =	ssyncset.s32 @!p0 $0xFFFFF086;
	s6 =	sadd.s32 @!p0 s3, s7;
	s7 =	simm.s32 @!p0 $0x108  }
0x21: {  	s3 =	sadd.s32 s3, s9;
	s6 =	sadd.s32 @!p0 $0x88, s6;
	s7 =	simm.s32 @p2 $0x1082  }
0x22: {  	[simem:s7], [sflag:s8] =	dma.local @!p0 [hbm:s6], $0xF7A  }
0x23: {  	s9 =	sor.u32 $0xD0000000, s2;
	s6 =	simm.s32 $0x108;
	_ =	swait.ge @!p0 [sflag:s8], $0x0  }
0x24: {  	s3 =	sadd.s32 $0x88, s3;
	s6 =	simm.s32 @!p1 $0x1082;
	[sflag:s4] =	ssyncset.s32 $0xFFFFF086  }
0x25: {  	[simem:s6], [sflag:s4] =	dma.local [hbm:s3], $0xF7A  }
0x26: {  	[smem:$0x3F84] =	sst s1;
	(tag) =	ssettag s2;
	_ =	strace s9  }
0x27: {  	s1 =	sld [smem:$0x3F94]  }
0x28: {  	s2 =	sld [smem:$0x3F95]  }
0x29: {  	s4 =	sld [smem:$0x3F97]  }
0x2a: {  	p0 =	seq.s32 s5, $0x0;
	s5 =	sld [smem:$0x3F98]  }
0x2b: {  	s6 =	sld [smem:$0x3F99]  }
0x2c: {  	s7 =	sld [smem:$0x3F9A]  }
0x2d: {  	s3 =	simm.s32 $0x108;
	s8 =	sld [smem:$0x3F9B]  }
0x2e: {  	s3 =	simm.s32 @!p0 $0x1082;
	s9 =	sld [smem:$0x3F9C]  }
0x2f: {  	lr =	sadd.s32 s0, s3;
	s0 =	sld [smem:$0x3F93]  }
0x30: {  	s3 =	sld [smem:$0x3F96]  }
0x31: {  	[smem:$0x3F9F] =	sst s10  }
0x32: {  	s10 =	sld [smem:$0x3F9D];
	_ =	sdelay $0x3  }
0x33: {  	p0 =	seq.s32 s10, $0x1;
	s10 =	sld [smem:$0x3F9F];
	_ =	sdelay $0x3  }
0x34: {  	[smem:$0x3F9F] =	sst s10  }
0x35: {  	s10 =	sld [smem:$0x3F9E];
	_ =	sdelay $0x3  }
0x36: {  	p1 =	seq.s32 s10, $0x1;
	s10 =	sld [smem:$0x3F9F];
	_ =	sdelay $0x3  }
0x37: {  	[smem:$0x3F9F] =	sst s10  }
0x38: {  	s10 =	sld [smem:$0x3FA0]  }
0x39: {  	_ = 	snop;
	(pc) =	sbr.ind lr, $3  }
0x3a: {  	_ = 	snop  }
0x3b: {  	_ = 	snop  }
0x3c: {  	p2 =	seq.s32 s10, $0x1;
	s10 =	sld [smem:$0x3F9F]  }
0x3d: {  	_ =	shalt  }
0x3e: {  	_ =	shalt  }
0x3f: {  	_ =	shalt  }
0x40: {  	_ =	shalt  }
0x41: {  	_ =	shalt  }
0x42: {  	_ =	shalt  }
0x43: {  	_ =	shalt  }
0x44: {  	_ =	shalt  }
0x45: {  	_ =	shalt  }
0x46: {  	_ =	shalt  }
0x47: {  	_ =	shalt  }
0x48: {  	_ =	shalt  }
0x49: {  	_ =	shalt  }
0x4a: {  	_ =	shalt  }
0x4b: {  	_ =	shalt  }
0x4c: {  	_ =	shalt  }
0x4d: {  	_ =	shalt  }
0x4e: {  	_ =	shalt  }
0x4f: {  	_ =	shalt  }
0x50: {  	_ =	shalt  }
0x51: {  	_ =	shalt  }
0x52: {  	_ =	shalt  }
0x53: {  	_ =	shalt  }
0x54: {  	_ =	shalt  }
0x55: {  	_ =	shalt  }
0x56: {  	_ =	shalt  }
0x57: {  	_ =	shalt  }
0x58: {  	_ =	shalt  }
0x59: {  	_ =	shalt  }
0x5a: {  	_ =	shalt  }
0x5b: {  	_ =	shalt  }
0x5c: {  	_ =	shalt  }
0x5d: {  	_ =	shalt  }
0x5e: {  	_ =	shalt  }
0x5f: {  	_ =	shalt  }
0x60: {  	_ =	shalt  }
0x61: {  	_ =	shalt  }
0x62: {  	_ =	shalt  }
0x63: {  	_ =	shalt  }
0x64: {  	_ =	shalt  }
0x65: {  	_ =	shalt  }
0x66: {  	_ =	shalt  }
0x67: {  	_ =	shalt  }
0x68: {  	_ =	shalt  }
0x69: {  	_ =	shalt  }
0x6a: {  	_ =	shalt  }
0x6b: {  	_ =	shalt  }
0x6c: {  	_ =	shalt  }
0x6d: {  	_ =	shalt  }
0x6e: {  	_ =	shalt  }
0x6f: {  	_ =	shalt  }
0x70: {  	_ =	shalt  }
0x71: {  	_ =	shalt  }
0x72: {  	_ =	shalt  }
0x73: {  	_ =	shalt  }
0x74: {  	_ =	shalt  }
0x75: {  	_ =	shalt  }
0x76: {  	_ =	shalt  }
0x77: {  	_ =	shalt  }
0x78: {  	_ =	shalt  }
0x79: {  	_ =	shalt  }
0x7a: {  	_ =	shalt  }
0x7b: {  	_ =	shalt  }
0x7c: {  	_ =	shalt  }
0x7d: {  	_ =	shalt  }
0x7e: {  	_ =	shalt  }
0x7f: {  	_ =	shalt  }
0x80: {  	_ =	shalt  }
0x81: {  	_ =	shalt  }
0x82: {  	_ =	shalt  }
0x83: {  	_ =	shalt  }
0x84: {  	_ =	shalt  }
0x85: {  	_ =	shalt  }
0x86: {  	_ =	shalt  }
0x87: {  	_ =	shalt  }
.Lfunc_end0:
.L_simem_size_0:
called_computation_lowered:
.L_overlay_start_0:
0x88: {  	s2 =	sld [smem:$0x3FD9]  }
0x89: {  	s3 =	sld [smem:$0x3FFE];
	_ =	sdelay $0x1  }
0x8a: {  	s1 =	srdreg.scid  }
0x8b: {  	s0 =	sand.u32 $0x1, s1  }
0x8c: {  	s16 =	sshll.u32 s0, $0xA;
	s2 =	sadd.s32 s3, s2  }
0x8d: {  	s2 =	sadd.s32 s2, s16  }
0x8e: {  	[smem:$0x3FAB] =	sst s2  }
0x8f: {  	_ = 	snop  }
0x90: {  	(tm) =	ssettm $0x1  }
0x91: {  	s17 =	sld [smem:$0x3FFB];
	_ =	sdelay $0x3  }
0x92: {  	_ =	strace s17  }
0x93: {  	s2 =	sld [smem:$0x3FFC];
	_ =	sdelay $0x3  }
0x94: {  	_ =	strace s2  }
0x95: {  	s2 =	sld [smem:$0x3FFD];
	_ =	sdelay $0x3  }
0x96: {  	_ =	strace s2  }
0x97: {  	_ =	strace $0x8FFFFFFF  }
0x98: {  	s18 =	sld [smem:$0x3FDB];
	_ =	sdelay $0x1  }
0x99: {  	s19 =	simm.s32 $_scs_section_size  }
0x9a: {  	s4 =	simm.s32 $_size__tile_overlayer_lowered;
	s5 =	simm.s32 $_tile_overlayer_lowered  }
0x9b: {  	s22 =	simm.s32 $0x1BFF;
	s21 =	sshll.u32 s5, $0x1;
	s2 =	sadd.s32 s19, s18  }
0x9c: {  	s6 =	simm.s32 $0x0;
	s20 =	sshll.u32 s4, $0x1;
	s4 =	sadd.s32 s21, s2  }
0x9d: {  	[timem:s6], [sflag:s22] =	dma.local [hbm:s4], s20  }
0x9e: {  	_ =	swait.ge [sflag:s22], s20  }
0x9f: {  	s3 =	ssub.s32 $0x0, s20;
	[sflag:s22] =	ssyncset.done $0x0  }
0xa0: {  	[sflag:s22] =	ssyncadd.s32 s3;
	_ =	sdelay $0x1  }
0xa1: {  	s23 =	simm.s32 $0x1B8B  }
0xa2: {  	_ =	swait.ge [sflag:s23], $0x1  }
0xa3: {  	[sflag:s23] =	ssyncset.done $0x0  }
0xa4: {  	s25 =	simm.s32 $0x1B8E;
	s24 =	sld [smem:$0x3FFE];
	[sflag:s23] =	ssyncadd.s32 $0xFFFFFFFF  }
0xa5: {  	s26 =	simm.s32 $execute0_lowered;
	[smem:$0x3FD2] =	sst s25  }
0xa6: {  	s4 =	sshll.u32 s26, $0x1;
	_ =	strace $0x80000046;
	[dreg:$0x1] =	wrdreg $0xFFFFFFFF  }
0xa7: {  	s28 =	simm.s32 $_size_execute0_lowered;
	s2 =	sadd.s32 s2, s4;
	[dreg:$0x0] =	wrdreg $0x0  }
0xa8: {  	s4 =	sshll.u32 s28, $0x1;
	[dreg:$0x2] =	wrdreg s2  }
0xa9: {  	[dreg:$0x3] =	wrdreg s4  }
0xaa: {  	[dreg:$0x4] =	wrdreg $0xC0  }
0xab: {  	_ =	task [dreg:s6], $0x5FFFF  }
0xac: {  	[dreg:$0x1] =	wrdreg $0xFFFFFFFF  }
0xad: {  	[dreg:$0x0] =	wrdreg $0x60  }
0xae: {  	[dreg:$0x2] =	wrdreg s24  }
0xaf: {  	[dreg:$0x3] =	wrdreg $0x41000  }
0xb0: {  	[dreg:$0x4] =	wrdreg $0x9  }
0xb1: {  	_ =	task.clear_ibuf [dreg:s6], $0x5FFFF;
	_ =	strace $0x90000046  }
0xb2: {  	s29 =	simm.s32 $0x9;
	_ =	strace $0x80000048  }
0xb3: {  	_ =	swait.ge [sflag:s29], $0x1  }
0xb4: {  	[sflag:s29] =	ssyncadd.s32 $0xFFFFFFFF  }
0xb5: {  	_ =	strace $0x90000048  }
0xb6: {  	_ =	sfence  }
0xb7: {  	s30 =	sld [smem:$0x0];
	_ =	sdelay $0x2  }
0xb8: {  	s31 =	sshll.u32 s1, $0xD;
	s1 =	sshrl.u32 s1, $0x2  }
0xb9: {  	s3 =	sand.u32 $0x4000, s31;
	s1 =	sadd.s32 s1, s30  }
0xba: {  	s0 =	sor.u32 s3, s0;
	s1 =	sshll.u32 s1, $0x11  }
0xbb: {  	s0 =	sor.u32 s1, s0  }
0xbc: {  	s0 =	sadd.s32 $0x8F2B, s0  }
0xbd: {  	[sflag:s0] =	ssyncadd.remote.s32 $0x1  }
0xbe: {  	_ =	sfence.sel $0xFFFF  }
0xbf: {  	[dreg:$0x0] =	wrdreg $0xFFFFFFFF;
	(pc) =	sbr.abs _section_cstart, $3  }
0xc0: {  	[dreg:$0x1] =	wrdreg $0xFFFFFFFF  }
0xc1: {  	_ =	task.clear_ibuf [dreg:s6], $0x2FFFF;
	_ =	strace $0x9FFFFFFF  }
0xc2: {  	(tm) =	ssettm $0x7FFFFFFF  }
0xc3: {  	_ =	shalt  }
tec
execute0_lowered:
.L_overlay_start_1:
0x0: {  	(tag) =	ssettag $0x1  }
0x1: {  	s7 =	rddreg [dreg:$0x0]  }
0x2: {  	s1 =	rddreg [dreg:$0x1]  }
0x3: {  	s0 =	rddreg [dreg:$0x2];
	s2 =	simm.s32 $0x0  }
0x4: {  	s3 =	stileid.u32;
	s8 =	srdreg.scid;
	s14 =	simm.s32 $0x100  }
0x5: {  	s15 =	simm.s32 $0x80;
	s16 =	simm.s32 $0x1;
	s17 =	simm.s32 $0x0  }
0x6: {  	[smem:$0x7FF] =	sst s2;
	s4 =	sadd.s32 $0x5800, s7;
	s5 =	sadd.s32 $0x9D7800, s7  }
0x7: {  	s6 =	sadd.s32 $0x2D800, s7;
	s9 =	smul.u32 $0x2800, s3;
	s8 =	sand.u32 $0x1, s8  }
0x8: {  	s11 =	sshll.u32 s3, $0x1;
	s12 =	smul.u32 $0x50000, s3;
	s31 =	sshll.u32 s3, $0x6  }
0x9: {  	_ =	strace $0x80000047;
	s10 =	ssub.s32 $0x2, s8;
	s29 =	sor.u32 s8, s11  }
0xa: {  	p0 =	seq.s32 s8, $0x1;
	s11 =	simm.s32 $0x91400;
	s13 =	sadd.s32 s9, s7  }
0xb: {  	s28 =	sshrl.u32 s10, $0x1;
	s7 =	smul.u32 $0x4F, s29;
	s30 =	sshrl.u32 s12, $0x2  }
0xc: {  	s11 =	simm.s32 @!p0 $0x69400;
	s9 =	sor.u32 $0x1C02, s31;
	s10 =	ssub.s32 s10, s28  }
0xd: {  	s12 =	sadd.s32 s30, s1;
	s8 =	sadd.s32 $0x41400, s13;
	s11 =	sadd.s32 s11, s13  }
0xe: {  	s13 =	simm.s32 $0x2;
	s10 =	smax.u32 s10, $0x1;
	s12 =	sshrl.u32 s12, $0x3  }
.LBB2_1:
0xf: {  	[spmem:s12], [sflag:s9] =	dma.local [hbm:s8], $0x2800  }
0x10: {  	_ =	swait.ge [sflag:s13], $0x2800  }
0x11: {  	[sflag:s13] =	ssyncset.done $0x0  }
0x12: {  	[sflag:s13] =	ssyncadd.s32 $0xFFFFD800  }
0x13: {  	s18 =	simm.s32 $0x0;
	[bflag:$0x0] =	sbarrier.arrive $0xFFFF  }
.LBB2_2:
0x14: {  	s19 =	sadd.s32 s7, s18  }
0x15: {  	s20 =	sshll.u32 s19, $0x5  }
0x16: {  	s20 =	sadd.s32 s6, s20  }
0x17: {  	[tilespmem:s2], [sflag:$0x2] =	stream.linear.gather [hbm4b:s20+s2], $0x100, $0x38;
	[tilespmem:$0x18100] =	vst v63  }
0x18: {  	_ =	swait.ge [sflag:s13], $0x100  }
0x19: {  	s19 =	sshll.u32 s19, $0xB;
	[sflag:s13] =	ssyncset.done $0x0  }
0x1a: {  	s19 =	sadd.s32 s5, s19;
	[sflag:s13] =	ssyncadd.s32 $0xFFFFFF00  }
0x1b: {  	[tilespmem:s14], [sflag:$0x2] =	stream.linear.gather [hbm4b:s19+s2], $0x4000, $0x38;
	[tilespmem:$0x18100] =	vst v63  }
0x1c: {  	_ =	swait.ge [sflag:s13], $0x4000  }
0x1d: {  	[sflag:s13] =	ssyncset.done $0x0  }
0x1e: {  	[sflag:s13] =	ssyncadd.s32 $0xFFFFC000  }
0x1f: {  	[tilespmem:s14], [sflag:$0x1] =	stream.indirect.gather.add.f32 [hbm:s4], $0x80, s2, s15, $0xb8;
	[tilespmem:$0x18100] =	vst v63  }
0x20: {  	_ =	swait.ge [sflag:s16], $0x4000  }
0x21: {  	[sflag:s16] =	ssyncset.done $0x0  }
0x22: {  	s19 =	simm.s32 $0x180;
	[sflag:s16] =	ssyncadd.s32 $0xFFFFC000  }
0x23: {  	v0 =	vld [tilespmem:s19+$0xFFFFFF80]  }
0x24: {  	v1 =	vld [tilespmem:s19+$0xFFFFFF90]  }
0x25: {  	v2 =	vld [tilespmem:s19+$0xFFFFFFA0]  }
0x26: {  	v3 =	vld [tilespmem:s19+$0xFFFFFFB0]  }
0x27: {  	v4 =	vld [tilespmem:s19+$0xFFFFFFC0]  }
0x28: {  	v5 =	vld [tilespmem:s19+$0xFFFFFFD0];
	v0 =	vmax.f32 v0, $0.0e+00  }
0x29: {  	[tilespmem:s19+$0xFFFFFF80] =	vst v0;
	v0 =	vmax.f32 v1, $0.0e+00;
	v1 =	vld [tilespmem:s19+$0xFFFFFFE0]  }
0x2a: {  	[tilespmem:s19+$0xFFFFFF90] =	vst v0;
	v0 =	vmax.f32 v2, $0.0e+00;
	v2 =	vld [tilespmem:s19+$0x0]  }
0x2b: {  	[tilespmem:s19+$0xFFFFFFA0] =	vst v0;
	v0 =	vmax.f32 v3, $0.0e+00;
	v3 =	vld [tilespmem:s19+$0x10]  }
0x2c: {  	[tilespmem:s19+$0xFFFFFFB0] =	vst v0;
	v0 =	vmax.f32 v4, $0.0e+00;
	v4 =	vld [tilespmem:s19+$0x20]  }
0x2d: {  	[tilespmem:s19+$0xFFFFFFC0] =	vst v0;
	v0 =	vmax.f32 v5, $0.0e+00;
	v5 =	vld [tilespmem:s19+$0x30]  }
0x2e: {  	[tilespmem:s19+$0xFFFFFFD0] =	vst v0;
	v1 =	vmax.f32 v1, $0.0e+00;
	v0 =	vld [tilespmem:s19+$0x40]  }
0x2f: {  	[tilespmem:s19+$0xFFFFFFE0] =	vst v1;
	v2 =	vmax.f32 v2, $0.0e+00;
	v1 =	vld [tilespmem:s19+$0x50]  }
0x30: {  	[tilespmem:s19+$0x0] =	vst v2;
	v3 =	vmax.f32 v3, $0.0e+00;
	v2 =	vld [tilespmem:s19+$0x60]  }
0x31: {  	[tilespmem:s19+$0x10] =	vst v3;
	v6 =	vmax.f32 v4, $0.0e+00;
	v4 =	vld [tilespmem:s19+$0x70]  }
0x32: {  	s21 =	simm.s32 $0x280;
	s20 =	simm.s32 $0x0;
	v3 =	vld [tilespmem:s19+$0xFFFFFFF0];
	[tilespmem:s19+$0x20] =	vst v6;
	v5 =	vmax.f32 v5, $0.0e+00  }
.LBB2_3:
0x33: {  	v6 =	vld [tilespmem:s21+$0xFFFFFF80];
	[tilespmem:s19+$0x30] =	vst v5;
	v0 =	vmax.f32 v0, $0.0e+00  }
0x34: {  	v5 =	vld [tilespmem:s21+$0xFFFFFF90];
	[tilespmem:s19+$0x40] =	vst v0;
	v0 =	vmax.f32 v1, $0.0e+00  }
0x35: {  	v1 =	vld [tilespmem:s21+$0xFFFFFFA0];
	[tilespmem:s19+$0x50] =	vst v0;
	v0 =	vmax.f32 v2, $0.0e+00  }
0x36: {  	v2 =	vld [tilespmem:s21+$0xFFFFFFB0];
	[tilespmem:s19+$0x60] =	vst v0;
	v0 =	vmax.f32 v4, $0.0e+00  }
0x37: {  	v4 =	vld [tilespmem:s21+$0xFFFFFFC0];
	v3 =	vmax.f32 v3, $0.0e+00;
	[tilespmem:s19+$0x70] =	vst v0  }
0x38: {  	v0 =	vmax.f32 v6, $0.0e+00;
	v6 =	vld [tilespmem:s21+$0xFFFFFFD0];
	[tilespmem:s19+$0xFFFFFFF0] =	vst v3;
	s19 =	smov.u32 s21  }
0x39: {  	[tilespmem:s21+$0xFFFFFF80] =	vst v0;
	v0 =	vmax.f32 v5, $0.0e+00;
	v3 =	vld [tilespmem:s21+$0xFFFFFFE0]  }
0x3a: {  	[tilespmem:s21+$0xFFFFFF90] =	vst v0;
	v0 =	vmax.f32 v1, $0.0e+00;
	v1 =	vld [tilespmem:s21+$0x0]  }
0x3b: {  	[tilespmem:s21+$0xFFFFFFA0] =	vst v0;
	v0 =	vmax.f32 v2, $0.0e+00;
	v2 =	vld [tilespmem:s21+$0x10]  }
0x3c: {  	s20 =	sadd.s32 $0x2, s20;
	[tilespmem:s21+$0xFFFFFFB0] =	vst v0;
	v0 =	vmax.f32 v4, $0.0e+00;
	v4 =	vld [tilespmem:s21+$0x20]  }
0x3d: {  	p0 =	slt.u32 s20, $0x7E;
	[tilespmem:s21+$0xFFFFFFC0] =	vst v0;
	v0 =	vmax.f32 v6, $0.0e+00;
	v5 =	vld [tilespmem:s21+$0x30]  }
.Ltmp0:
0x3e: {  	[tilespmem:s21+$0xFFFFFFD0] =	vst v0;
	v3 =	vmax.f32 v3, $0.0e+00;
	v0 =	vld [tilespmem:s21+$0x40];
	(pc) =	sbr.rel @p0 .LBB2_3-.Ltmp0, $4  }
0x3f: {  	[tilespmem:s21+$0xFFFFFFE0] =	vst v3;
	v3 =	vmax.f32 v1, $0.0e+00;
	v1 =	vld [tilespmem:s21+$0x50]  }
0x40: {  	[tilespmem:s21+$0x0] =	vst v3;
	v3 =	vmax.f32 v2, $0.0e+00;
	v2 =	vld [tilespmem:s21+$0x60]  }
0x41: {  	[tilespmem:s21+$0x10] =	vst v3;
	v6 =	vmax.f32 v4, $0.0e+00;
	v4 =	vld [tilespmem:s21+$0x70]  }
0x42: {  	s21 =	sadd.s32 $0x100, s21;
	v3 =	vld [tilespmem:s19+$0xFFFFFFF0];
	[tilespmem:s19+$0x20] =	vst v6;
	v5 =	vmax.f32 v5, $0.0e+00  }
0x43: {  	[tilespmem:s19+$0x30] =	vst v5;
	v0 =	vmax.f32 v0, $0.0e+00  }
0x44: {  	[tilespmem:s19+$0x40] =	vst v0;
	v60 =	vmax.f32 v1, $0.0e+00  }
0x45: {  	[tilespmem:s19+$0x50] =	vst v60;
	v61 =	vmax.f32 v2, $0.0e+00  }
0x46: {  	s18 =	sadd.s32 $0x1, s18;
	[tilespmem:s19+$0x60] =	vst v61;
	v62 =	vmax.f32 v4, $0.0e+00  }
0x47: {  	p0 =	sne.s32 s18, $0x4F;
	v63 =	vmax.f32 v3, $0.0e+00;
	[tilespmem:s19+$0x70] =	vst v62  }
.Ltmp1:
0x48: {  	[tilespmem:s19+$0xFFFFFFF0] =	vst v63;
	(pc) =	sbr.rel @p0 .LBB2_2-.Ltmp1, $4  }
0x49: {  	[spmem:s1] =	stream.indirect.scatter.add.f32 [tilespmem:s14], [sflag:$0x2], $0x80, s15, s15, $0xb8;
	[tilespmem:$0x18100] =	vst v63  }
0x4a: {  	_ =	swait.ge [sflag:s13], $0x4000  }
0x4b: {  	[sflag:s13] =	ssyncset.done $0x0  }
0x4c: {  	[sflag:s13] =	ssyncadd.s32 $0xFFFFC000  }
0x4d: {  	s17 =	sadd.s32 $0x1, s17  }
0x4e: {  	p0 =	sne.s32 s17, s10  }
.Ltmp2:
0x4f: {  	[bflag:$0x0] =	sbarrier.arrive $0xFFFF;
	(pc) =	sbr.rel @p0 .LBB2_1-.Ltmp2, $4  }
0x50: {  	[hbm:s11], [sflag:s9] =	dma.local [spmem:s12], $0x2800  }
0x51: {  	_ =	swait.ge [sflag:s13], $0x2800  }
0x52: {  	[sflag:s13] =	ssyncset.done $0x0  }
0x53: {  	[sflag:s13] =	ssyncadd.s32 $0xFFFFD800  }
0x54: {  	_ =	sfence.sel $0x180000  }
0x55: {  	[bflag:$0x0] =	sbarrier.arrive $0xFFFF  }
0x56: {  	p0 =	sne.s32 s3, $0x0;
	_ =	strace $0x90000047  }
0x57: {  	s0 =	sadd.s32 @!p0 $0x100000, s0;
	[bflag:$0x2] =	sbarrier.arrive $0xFFFF  }
0x58: {  	[sflag:s0] =	ssyncadd.tile.s32 @!p0 $0x1;
	_ =	shalt  }
.Lfunc_end2:
_tile_overlayer_lowered:
.L_overlay_start_2:
0x59: {  	(tag) =	ssettag $0x2  }
0x5a: {  	s0 =	rddreg [dreg:$0x0];
	s2 =	stileid.u32  }
0x5b: {  	s1 =	rddreg [dreg:$0x1];
	p0 =	sne.s32 s2, $0x0  }
0x5c: {  	s3 =	rddreg [dreg:$0x2];
	[bflag:$0x3] =	sbarrier.arrive $0xFFFF;
	s2 =	simm.s32 @!p0 $0x1C02  }
0x5d: {  	[timem:s3], [sflag:s2] =	dma.local @!p0 [hbm:s0], s1  }
0x5e: {  	s0 =	simm.s32 @!p0 $0x2  }
0x5f: {  	_ =	swait.ge @!p0 [sflag:s0], s1  }
0x60: {  	s1 =	ssub.s32 @!p0 $0x0, s1;
	[sflag:s0] =	ssyncset.done @!p0 $0x0  }
0x61: {  	[sflag:s0] =	ssyncadd.s32 @!p0 s1  }
0x62: {  	[bflag:$0x3] =	sbarrier.arrive $0xFFFF  }
0x63: {  	_ =	shalt  }

// kernel: kernel.13.cloned.1.call-start
scs
__scs_entry_jumppad:
0x0: {  	(pc) =	sbr.rel $0x88, $3  }
0x1: {  	(tag) =	ssettag $0x0;
	lr =	simm.s32 $0x1  }
0x2: {  	[smem:$0x3F84] =	sst lr;
	_ =	strace $0xD0000000  }
0x3: {  	_ = 	snop  }
0x4: {  	_ = 	snop  }
0x5: {  	_ = 	snop  }
0x6: {  	_ = 	snop  }
0x7: {  	_ = 	snop  }
__scs_overlays_trampoline_lowered:
0x8: {  	[smem:$0x3F93] =	sst s0  }
0x9: {  	[smem:$0x3F94] =	sst s1  }
0xa: {  	[smem:$0x3F95] =	sst s2  }
0xb: {  	[smem:$0x3F96] =	sst s3  }
0xc: {  	[smem:$0x3F97] =	sst s4  }
0xd: {  	[smem:$0x3F98] =	sst s5  }
0xe: {  	[smem:$0x3F99] =	sst s6  }
0xf: {  	[smem:$0x3F9A] =	sst s7  }
0x10: {  	[smem:$0x3F9B] =	sst s8  }
0x11: {  	[smem:$0x3F9C] =	sst s9;
	s0 =	simm.s32 @!p0 $0x0  }
0x12: {  	s1 =	sld [smem:$0x3F82];
	s0 =	simm.s32 @p0 $0x1  }
0x13: {  	[smem:$0x3F9D] =	sst s0;
	s0 =	simm.s32 @!p1 $0x0  }
0x14: {  	s2 =	sld [smem:$0x3F81];
	s0 =	simm.s32 @p1 $0x1  }
0x15: {  	[smem:$0x3F9E] =	sst s0;
	s0 =	simm.s32 @!p2 $0x0  }
0x16: {  	s3 =	sld [smem:$0x3FDB];
	s0 =	simm.s32 @p2 $0x1  }
0x17: {  	s4 =	simm.s32 $0x1BF5;
	[smem:$0x3FA0] =	sst s0  }
0x18: {  	s0 =	sld [smem:$0x3F83];
	_ =	swait.ge [sflag:s4], $0x0  }
0x19: {  	s7 =	sld [smem:$0x3F84]  }
0x1a: {  	s8 =	sadd.s32 $0xFFFFE003, lr  }
0x1b: {  	s9 =	sadd.s32 $0xFFFFFEF7, lr;
	s5 =	simm.s32 $0xFFFFFFFF;
	p2 =	slt.u32 s8, $0xFFFFF086  }
0x1c: {  	p1 =	slt.u32 s9, $0xF7A;
	s5 =	simm.s32 @!p2 $0x0  }
0x1d: {  	s5 =	simm.s32 @p1 $0x1;
	p0 =	seq.s32 s7, s2  }
0x1e: {  	s7 =	smul.u32 @!p0 $0xF7A, s2;
	p2 =	seq.s32 @!p0 s5, $0x0  }
0x1f: {  	s9 =	smul.u32 $0xF7A, s1;
	s8 =	simm.s32 @!p0 $0x1BF5;
	p2 =	por !p2, p0  }
0x20: {  	[sflag:s8] =	ssyncset.s32 @!p0 $0xFFFFF086;
	s6 =	sadd.s32 @!p0 s3, s7;
	s7 =	simm.s32 @!p0 $0x108  }
0x21: {  	s3 =	sadd.s32 s3, s9;
	s6 =	sadd.s32 @!p0 $0x88, s6;
	s7 =	simm.s32 @p2 $0x1082  }
0x22: {  	[simem:s7], [sflag:s8] =	dma.local @!p0 [hbm:s6], $0xF7A  }
0x23: {  	s9 =	sor.u32 $0xD0000000, s2;
	s6 =	simm.s32 $0x108;
	_ =	swait.ge @!p0 [sflag:s8], $0x0  }
0x24: {  	s3 =	sadd.s32 $0x88, s3;
	s6 =	simm.s32 @!p1 $0x1082;
	[sflag:s4] =	ssyncset.s32 $0xFFFFF086  }
0x25: {  	[simem:s6], [sflag:s4] =	dma.local [hbm:s3], $0xF7A  }
0x26: {  	[smem:$0x3F84] =	sst s1;
	(tag) =	ssettag s2;
	_ =	strace s9  }
0x27: {  	s1 =	sld [smem:$0x3F94]  }
0x28: {  	s2 =	sld [smem:$0x3F95]  }
0x29: {  	s4 =	sld [smem:$0x3F97]  }
0x2a: {  	p0 =	seq.s32 s5, $0x0;
	s5 =	sld [smem:$0x3F98]  }
0x2b: {  	s6 =	sld [smem:$0x3F99]  }
0x2c: {  	s7 =	sld [smem:$0x3F9A]  }
0x2d: {  	s3 =	simm.s32 $0x108;
	s8 =	sld [smem:$0x3F9B]  }
0x2e: {  	s3 =	simm.s32 @!p0 $0x1082;
	s9 =	sld [smem:$0x3F9C]  }
0x2f: {  	lr =	sadd.s32 s0, s3;
	s0 =	sld [smem:$0x3F93]  }
0x30: {  	s3 =	sld [smem:$0x3F96]  }
0x31: {  	[smem:$0x3F9F] =	sst s10  }
0x32: {  	s10 =	sld [smem:$0x3F9D];
	_ =	sdelay $0x3  }
0x33: {  	p0 =	seq.s32 s10, $0x1;
	s10 =	sld [smem:$0x3F9F];
	_ =	sdelay $0x3  }
0x34: {  	[smem:$0x3F9F] =	sst s10  }
0x35: {  	s10 =	sld [smem:$0x3F9E];
	_ =	sdelay $0x3  }
0x36: {  	p1 =	seq.s32 s10, $0x1;
	s10 =	sld [smem:$0x3F9F];
	_ =	sdelay $0x3  }
0x37: {  	[smem:$0x3F9F] =	sst s10  }
0x38: {  	s10 =	sld [smem:$0x3FA0]  }
0x39: {  	_ = 	snop;
	(pc) =	sbr.ind lr, $3  }
0x3a: {  	_ = 	snop  }
0x3b: {  	_ = 	snop  }
0x3c: {  	p2 =	seq.s32 s10, $0x1;
	s10 =	sld [smem:$0x3F9F]  }
0x3d: {  	_ =	shalt  }
0x3e: {  	_ =	shalt  }
0x3f: {  	_ =	shalt  }
0x40: {  	_ =	shalt  }
0x41: {  	_ =	shalt  }
0x42: {  	_ =	shalt  }
0x43: {  	_ =	shalt  }
0x44: {  	_ =	shalt  }
0x45: {  	_ =	shalt  }
0x46: {  	_ =	shalt  }
0x47: {  	_ =	shalt  }
0x48: {  	_ =	shalt  }
0x49: {  	_ =	shalt  }
0x4a: {  	_ =	shalt  }
0x4b: {  	_ =	shalt  }
0x4c: {  	_ =	shalt  }
0x4d: {  	_ =	shalt  }
0x4e: {  	_ =	shalt  }
0x4f: {  	_ =	shalt  }
0x50: {  	_ =	shalt  }
0x51: {  	_ =	shalt  }
0x52: {  	_ =	shalt  }
0x53: {  	_ =	shalt  }
0x54: {  	_ =	shalt  }
0x55: {  	_ =	shalt  }
0x56: {  	_ =	shalt  }
0x57: {  	_ =	shalt  }
0x58: {  	_ =	shalt  }
0x59: {  	_ =	shalt  }
0x5a: {  	_ =	shalt  }
0x5b: {  	_ =	shalt  }
0x5c: {  	_ =	shalt  }
0x5d: {  	_ =	shalt  }
0x5e: {  	_ =	shalt  }
0x5f: {  	_ =	shalt  }
0x60: {  	_ =	shalt  }
0x61: {  	_ =	shalt  }
0x62: {  	_ =	shalt  }
0x63: {  	_ =	shalt  }
0x64: {  	_ =	shalt  }
0x65: {  	_ =	shalt  }
0x66: {  	_ =	shalt  }
0x67: {  	_ =	shalt  }
0x68: {  	_ =	shalt  }
0x69: {  	_ =	shalt  }
0x6a: {  	_ =	shalt  }
0x6b: {  	_ =	shalt  }
0x6c: {  	_ =	shalt  }
0x6d: {  	_ =	shalt  }
0x6e: {  	_ =	shalt  }
0x6f: {  	_ =	shalt  }
0x70: {  	_ =	shalt  }
0x71: {  	_ =	shalt  }
0x72: {  	_ =	shalt  }
0x73: {  	_ =	shalt  }
0x74: {  	_ =	shalt  }
0x75: {  	_ =	shalt  }
0x76: {  	_ =	shalt  }
0x77: {  	_ =	shalt  }
0x78: {  	_ =	shalt  }
0x79: {  	_ =	shalt  }
0x7a: {  	_ =	shalt  }
0x7b: {  	_ =	shalt  }
0x7c: {  	_ =	shalt  }
0x7d: {  	_ =	shalt  }
0x7e: {  	_ =	shalt  }
0x7f: {  	_ =	shalt  }
0x80: {  	_ =	shalt  }
0x81: {  	_ =	shalt  }
0x82: {  	_ =	shalt  }
0x83: {  	_ =	shalt  }
0x84: {  	_ =	shalt  }
0x85: {  	_ =	shalt  }
0x86: {  	_ =	shalt  }
0x87: {  	_ =	shalt  }
.Lfunc_end0:
.L_simem_size_0:
called_computation.1_lowered:
.L_overlay_start_0:
0x88: {  	s2 =	sld [smem:$0x3FD9]  }
0x89: {  	s3 =	sld [smem:$0x3FFE];
	_ =	sdelay $0x1  }
0x8a: {  	s1 =	srdreg.scid  }
0x8b: {  	s0 =	sand.u32 $0x1, s1  }
0x8c: {  	s16 =	sshll.u32 s0, $0xA;
	s2 =	sadd.s32 s3, s2  }
0x8d: {  	s2 =	sadd.s32 s2, s16  }
0x8e: {  	[smem:$0x3FAB] =	sst s2  }
0x8f: {  	_ = 	snop  }
0x90: {  	(tm) =	ssettm $0x1  }
0x91: {  	s17 =	sld [smem:$0x3FFB];
	_ =	sdelay $0x3  }
0x92: {  	_ =	strace s17  }
0x93: {  	s2 =	sld [smem:$0x3FFC];
	_ =	sdelay $0x3  }
0x94: {  	_ =	strace s2  }
0x95: {  	s2 =	sld [smem:$0x3FFD];
	_ =	sdelay $0x3  }
0x96: {  	_ =	strace s2  }
0x97: {  	_ =	strace $0x8FFFFFFF  }
0x98: {  	s18 =	sld [smem:$0x3FDB];
	_ =	sdelay $0x1  }
0x99: {  	s19 =	simm.s32 $_scs_section_size  }
0x9a: {  	s4 =	simm.s32 $_size__tile_overlayer_lowered;
	s5 =	simm.s32 $_tile_overlayer_lowered  }
0x9b: {  	s22 =	simm.s32 $0x1BFF;
	s21 =	sshll.u32 s5, $0x1;
	s2 =	sadd.s32 s19, s18  }
0x9c: {  	s6 =	simm.s32 $0x0;
	s20 =	sshll.u32 s4, $0x1;
	s4 =	sadd.s32 s21, s2  }
0x9d: {  	[timem:s6], [sflag:s22] =	dma.local [hbm:s4], s20  }
0x9e: {  	_ =	swait.ge [sflag:s22], s20  }
0x9f: {  	s3 =	ssub.s32 $0x0, s20;
	[sflag:s22] =	ssyncset.done $0x0  }
0xa0: {  	[sflag:s22] =	ssyncadd.s32 s3;
	_ =	sdelay $0x1  }
0xa1: {  	s23 =	simm.s32 $0x1B8B  }
0xa2: {  	_ =	swait.ge [sflag:s23], $0x1  }
0xa3: {  	[sflag:s23] =	ssyncset.done $0x0  }
0xa4: {  	s25 =	simm.s32 $0x1B8E;
	s24 =	sld [smem:$0x3FFE];
	[sflag:s23] =	ssyncadd.s32 $0xFFFFFFFF  }
0xa5: {  	s26 =	simm.s32 $execute0_lowered;
	[smem:$0x3FD2] =	sst s25  }
0xa6: {  	s4 =	sshll.u32 s26, $0x1;
	_ =	strace $0x80000049;
	[dreg:$0x1] =	wrdreg $0xFFFFFFFF  }
0xa7: {  	s28 =	simm.s32 $_size_execute0_lowered;
	s2 =	sadd.s32 s2, s4;
	[dreg:$0x0] =	wrdreg $0x0  }
0xa8: {  	s4 =	sshll.u32 s28, $0x1;
	[dreg:$0x2] =	wrdreg s2  }
0xa9: {  	[dreg:$0x3] =	wrdreg s4  }
0xaa: {  	[dreg:$0x4] =	wrdreg $0xC0  }
0xab: {  	_ =	task [dreg:s6], $0x5FFFF  }
0xac: {  	[dreg:$0x1] =	wrdreg $0xFFFFFFFF  }
0xad: {  	[dreg:$0x0] =	wrdreg $0x60  }
0xae: {  	[dreg:$0x2] =	wrdreg s24  }
0xaf: {  	[dreg:$0x3] =	wrdreg $0x41000  }
0xb0: {  	[dreg:$0x4] =	wrdreg $0x9  }
0xb1: {  	_ =	task.clear_ibuf [dreg:s6], $0x5FFFF;
	_ =	strace $0x90000049  }
0xb2: {  	s29 =	simm.s32 $0x9;
	_ =	strace $0x8000004B  }
0xb3: {  	_ =	swait.ge [sflag:s29], $0x1  }
0xb4: {  	[sflag:s29] =	ssyncadd.s32 $0xFFFFFFFF  }
0xb5: {  	_ =	strace $0x9000004B  }
0xb6: {  	_ =	sfence  }
0xb7: {  	s30 =	sld [smem:$0x0];
	_ =	sdelay $0x2  }
0xb8: {  	s31 =	sshll.u32 s1, $0xD;
	s1 =	sshrl.u32 s1, $0x2  }
0xb9: {  	s3 =	sand.u32 $0x4000, s31;
	s1 =	sadd.s32 s1, s30  }
0xba: {  	s0 =	sor.u32 s3, s0;
	s1 =	sshll.u32 s1, $0x11  }
0xbb: {  	s0 =	sor.u32 s1, s0  }
0xbc: {  	s0 =	sadd.s32 $0x8F2B, s0  }
0xbd: {  	[sflag:s0] =	ssyncadd.remote.s32 $0x1  }
0xbe: {  	_ =	sfence.sel $0xFFFF  }
0xbf: {  	[dreg:$0x0] =	wrdreg $0xFFFFFFFF;
	(pc) =	sbr.abs _section_cstart, $3  }
0xc0: {  	[dreg:$0x1] =	wrdreg $0xFFFFFFFF  }
0xc1: {  	_ =	task.clear_ibuf [dreg:s6], $0x2FFFF;
	_ =	strace $0x9FFFFFFF  }
0xc2: {  	(tm) =	ssettm $0x7FFFFFFF  }
0xc3: {  	_ =	shalt  }
tec
execute0_lowered:
.L_overlay_start_1:
0x0: {  	(tag) =	ssettag $0x1  }
0x1: {  	s7 =	rddreg [dreg:$0x0]  }
0x2: {  	s1 =	rddreg [dreg:$0x1]  }
0x3: {  	s0 =	rddreg [dreg:$0x2];
	s2 =	simm.s32 $0x0  }
0x4: {  	s3 =	stileid.u32;
	s8 =	srdreg.scid;
	s14 =	simm.s32 $0x100  }
0x5: {  	s15 =	simm.s32 $0x80;
	s16 =	simm.s32 $0x1;
	s17 =	simm.s32 $0x0  }
0x6: {  	[smem:$0x7FF] =	sst s2;
	s4 =	sadd.s32 $0x5800, s7;
	s5 =	sadd.s32 $0xEC7800, s7  }
0x7: {  	s6 =	sadd.s32 $0x2D800, s7;
	s9 =	smul.u32 $0x2800, s3;
	s8 =	sand.u32 $0x1, s8  }
0x8: {  	s11 =	sshll.u32 s3, $0x1;
	s12 =	smul.u32 $0x50000, s3;
	s31 =	sshll.u32 s3, $0x6  }
0x9: {  	_ =	strace $0x8000004A;
	s10 =	ssub.s32 $0x2, s8;
	s29 =	sor.u32 s8, s11  }
0xa: {  	p0 =	seq.s32 s8, $0x1;
	s11 =	simm.s32 $0x91400;
	s13 =	sadd.s32 s9, s7  }
0xb: {  	s28 =	sshrl.u32 s10, $0x1;
	s7 =	smul.u32 $0x4F, s29;
	s30 =	sshrl.u32 s12, $0x2  }
0xc: {  	s11 =	simm.s32 @!p0 $0x69400;
	s9 =	sor.u32 $0x1C02, s31;
	s10 =	ssub.s32 s10, s28  }
0xd: {  	s12 =	sadd.s32 s30, s1;
	s8 =	sadd.s32 $0x41400, s13;
	s11 =	sadd.s32 s11, s13  }
0xe: {  	s13 =	simm.s32 $0x2;
	s10 =	smax.u32 s10, $0x1;
	s12 =	sshrl.u32 s12, $0x3  }
.LBB2_1:
0xf: {  	[spmem:s12], [sflag:s9] =	dma.local [hbm:s8], $0x2800  }
0x10: {  	_ =	swait.ge [sflag:s13], $0x2800  }
0x11: {  	[sflag:s13] =	ssyncset.done $0x0  }
0x12: {  	[sflag:s13] =	ssyncadd.s32 $0xFFFFD800  }
0x13: {  	s18 =	simm.s32 $0x0;
	[bflag:$0x0] =	sbarrier.arrive $0xFFFF  }
.LBB2_2:
0x14: {  	s19 =	sadd.s32 s7, s18  }
0x15: {  	s20 =	sshll.u32 s19, $0x5  }
0x16: {  	s20 =	sadd.s32 s6, s20  }
0x17: {  	[tilespmem:s2], [sflag:$0x2] =	stream.linear.gather [hbm4b:s20+s2], $0x100, $0x38;
	[tilespmem:$0x18100] =	vst v63  }
0x18: {  	_ =	swait.ge [sflag:s13], $0x100  }
0x19: {  	s19 =	sshll.u32 s19, $0xB;
	[sflag:s13] =	ssyncset.done $0x0  }
0x1a: {  	s19 =	sadd.s32 s5, s19;
	[sflag:s13] =	ssyncadd.s32 $0xFFFFFF00  }
0x1b: {  	[tilespmem:s14], [sflag:$0x2] =	stream.linear.gather [hbm4b:s19+s2], $0x4000, $0x38;
	[tilespmem:$0x18100] =	vst v63  }
0x1c: {  	_ =	swait.ge [sflag:s13], $0x4000  }
0x1d: {  	[sflag:s13] =	ssyncset.done $0x0  }
0x1e: {  	[sflag:s13] =	ssyncadd.s32 $0xFFFFC000  }
0x1f: {  	[tilespmem:s14], [sflag:$0x1] =	stream.indirect.gather.add.f32 [hbm:s4], $0x80, s2, s15, $0xb8;
	[tilespmem:$0x18100] =	vst v63  }
0x20: {  	_ =	swait.ge [sflag:s16], $0x4000  }
0x21: {  	[sflag:s16] =	ssyncset.done $0x0  }
0x22: {  	s19 =	simm.s32 $0x180;
	[sflag:s16] =	ssyncadd.s32 $0xFFFFC000  }
0x23: {  	v0 =	vld [tilespmem:s19+$0xFFFFFF80]  }
0x24: {  	v1 =	vld [tilespmem:s19+$0xFFFFFF90]  }
0x25: {  	v2 =	vld [tilespmem:s19+$0xFFFFFFA0]  }
0x26: {  	v3 =	vld [tilespmem:s19+$0xFFFFFFB0]  }
0x27: {  	v4 =	vld [tilespmem:s19+$0xFFFFFFC0]  }
0x28: {  	v5 =	vld [tilespmem:s19+$0xFFFFFFD0];
	v0 =	vmax.f32 v0, $0.0e+00  }
0x29: {  	[tilespmem:s19+$0xFFFFFF80] =	vst v0;
	v0 =	vmax.f32 v1, $0.0e+00;
	v1 =	vld [tilespmem:s19+$0xFFFFFFE0]  }
0x2a: {  	[tilespmem:s19+$0xFFFFFF90] =	vst v0;
	v0 =	vmax.f32 v2, $0.0e+00;
	v2 =	vld [tilespmem:s19+$0x0]  }
0x2b: {  	[tilespmem:s19+$0xFFFFFFA0] =	vst v0;
	v0 =	vmax.f32 v3, $0.0e+00;
	v3 =	vld [tilespmem:s19+$0x10]  }
0x2c: {  	[tilespmem:s19+$0xFFFFFFB0] =	vst v0;
	v0 =	vmax.f32 v4, $0.0e+00;
	v4 =	vld [tilespmem:s19+$0x20]  }
0x2d: {  	[tilespmem:s19+$0xFFFFFFC0] =	vst v0;
	v0 =	vmax.f32 v5, $0.0e+00;
	v5 =	vld [tilespmem:s19+$0x30]  }
0x2e: {  	[tilespmem:s19+$0xFFFFFFD0] =	vst v0;
	v1 =	vmax.f32 v1, $0.0e+00;
	v0 =	vld [tilespmem:s19+$0x40]  }
0x2f: {  	[tilespmem:s19+$0xFFFFFFE0] =	vst v1;
	v2 =	vmax.f32 v2, $0.0e+00;
	v1 =	vld [tilespmem:s19+$0x50]  }
0x30: {  	[tilespmem:s19+$0x0] =	vst v2;
	v3 =	vmax.f32 v3, $0.0e+00;
	v2 =	vld [tilespmem:s19+$0x60]  }
0x31: {  	[tilespmem:s19+$0x10] =	vst v3;
	v6 =	vmax.f32 v4, $0.0e+00;
	v4 =	vld [tilespmem:s19+$0x70]  }
0x32: {  	s21 =	simm.s32 $0x280;
	s20 =	simm.s32 $0x0;
	v3 =	vld [tilespmem:s19+$0xFFFFFFF0];
	[tilespmem:s19+$0x20] =	vst v6;
	v5 =	vmax.f32 v5, $0.0e+00  }
.LBB2_3:
0x33: {  	v6 =	vld [tilespmem:s21+$0xFFFFFF80];
	[tilespmem:s19+$0x30] =	vst v5;
	v0 =	vmax.f32 v0, $0.0e+00  }
0x34: {  	v5 =	vld [tilespmem:s21+$0xFFFFFF90];
	[tilespmem:s19+$0x40] =	vst v0;
	v0 =	vmax.f32 v1, $0.0e+00  }
0x35: {  	v1 =	vld [tilespmem:s21+$0xFFFFFFA0];
	[tilespmem:s19+$0x50] =	vst v0;
	v0 =	vmax.f32 v2, $0.0e+00  }
0x36: {  	v2 =	vld [tilespmem:s21+$0xFFFFFFB0];
	[tilespmem:s19+$0x60] =	vst v0;
	v0 =	vmax.f32 v4, $0.0e+00  }
0x37: {  	v4 =	vld [tilespmem:s21+$0xFFFFFFC0];
	v3 =	vmax.f32 v3, $0.0e+00;
	[tilespmem:s19+$0x70] =	vst v0  }
0x38: {  	v0 =	vmax.f32 v6, $0.0e+00;
	v6 =	vld [tilespmem:s21+$0xFFFFFFD0];
	[tilespmem:s19+$0xFFFFFFF0] =	vst v3;
	s19 =	smov.u32 s21  }
0x39: {  	[tilespmem:s21+$0xFFFFFF80] =	vst v0;
	v0 =	vmax.f32 v5, $0.0e+00;
	v3 =	vld [tilespmem:s21+$0xFFFFFFE0]  }
0x3a: {  	[tilespmem:s21+$0xFFFFFF90] =	vst v0;
	v0 =	vmax.f32 v1, $0.0e+00;
	v1 =	vld [tilespmem:s21+$0x0]  }
0x3b: {  	[tilespmem:s21+$0xFFFFFFA0] =	vst v0;
	v0 =	vmax.f32 v2, $0.0e+00;
	v2 =	vld [tilespmem:s21+$0x10]  }
0x3c: {  	s20 =	sadd.s32 $0x2, s20;
	[tilespmem:s21+$0xFFFFFFB0] =	vst v0;
	v0 =	vmax.f32 v4, $0.0e+00;
	v4 =	vld [tilespmem:s21+$0x20]  }
0x3d: {  	p0 =	slt.u32 s20, $0x7E;
	[tilespmem:s21+$0xFFFFFFC0] =	vst v0;
	v0 =	vmax.f32 v6, $0.0e+00;
	v5 =	vld [tilespmem:s21+$0x30]  }
.Ltmp0:
0x3e: {  	[tilespmem:s21+$0xFFFFFFD0] =	vst v0;
	v3 =	vmax.f32 v3, $0.0e+00;
	v0 =	vld [tilespmem:s21+$0x40];
	(pc) =	sbr.rel @p0 .LBB2_3-.Ltmp0, $4  }
0x3f: {  	[tilespmem:s21+$0xFFFFFFE0] =	vst v3;
	v3 =	vmax.f32 v1, $0.0e+00;
	v1 =	vld [tilespmem:s21+$0x50]  }
0x40: {  	[tilespmem:s21+$0x0] =	vst v3;
	v3 =	vmax.f32 v2, $0.0e+00;
	v2 =	vld [tilespmem:s21+$0x60]  }
0x41: {  	[tilespmem:s21+$0x10] =	vst v3;
	v6 =	vmax.f32 v4, $0.0e+00;
	v4 =	vld [tilespmem:s21+$0x70]  }
0x42: {  	s21 =	sadd.s32 $0x100, s21;
	v3 =	vld [tilespmem:s19+$0xFFFFFFF0];
	[tilespmem:s19+$0x20] =	vst v6;
	v5 =	vmax.f32 v5, $0.0e+00  }
0x43: {  	[tilespmem:s19+$0x30] =	vst v5;
	v0 =	vmax.f32 v0, $0.0e+00  }
0x44: {  	[tilespmem:s19+$0x40] =	vst v0;
	v60 =	vmax.f32 v1, $0.0e+00  }
0x45: {  	[tilespmem:s19+$0x50] =	vst v60;
	v61 =	vmax.f32 v2, $0.0e+00  }
0x46: {  	s18 =	sadd.s32 $0x1, s18;
	[tilespmem:s19+$0x60] =	vst v61;
	v62 =	vmax.f32 v4, $0.0e+00  }
0x47: {  	p0 =	sne.s32 s18, $0x4F;
	v63 =	vmax.f32 v3, $0.0e+00;
	[tilespmem:s19+$0x70] =	vst v62  }
.Ltmp1:
0x48: {  	[tilespmem:s19+$0xFFFFFFF0] =	vst v63;
	(pc) =	sbr.rel @p0 .LBB2_2-.Ltmp1, $4  }
0x49: {  	[spmem:s1] =	stream.indirect.scatter.add.f32 [tilespmem:s14], [sflag:$0x2], $0x80, s15, s15, $0xb8;
	[tilespmem:$0x18100] =	vst v63  }
0x4a: {  	_ =	swait.ge [sflag:s13], $0x4000  }
0x4b: {  	[sflag:s13] =	ssyncset.done $0x0  }
0x4c: {  	[sflag:s13] =	ssyncadd.s32 $0xFFFFC000  }
0x4d: {  	s17 =	sadd.s32 $0x1, s17  }
0x4e: {  	p0 =	sne.s32 s17, s10  }
.Ltmp2:
0x4f: {  	[bflag:$0x0] =	sbarrier.arrive $0xFFFF;
	(pc) =	sbr.rel @p0 .LBB2_1-.Ltmp2, $4  }
0x50: {  	[hbm:s11], [sflag:s9] =	dma.local [spmem:s12], $0x2800  }
0x51: {  	_ =	swait.ge [sflag:s13], $0x2800  }
0x52: {  	[sflag:s13] =	ssyncset.done $0x0  }
0x53: {  	[sflag:s13] =	ssyncadd.s32 $0xFFFFD800  }
0x54: {  	_ =	sfence.sel $0x180000  }
0x55: {  	[bflag:$0x0] =	sbarrier.arrive $0xFFFF  }
0x56: {  	p0 =	sne.s32 s3, $0x0;
	_ =	strace $0x9000004A  }
0x57: {  	s0 =	sadd.s32 @!p0 $0x100000, s0;
	[bflag:$0x2] =	sbarrier.arrive $0xFFFF  }
0x58: {  	[sflag:s0] =	ssyncadd.tile.s32 @!p0 $0x1;
	_ =	shalt  }
.Lfunc_end2:
_tile_overlayer_lowered:
.L_overlay_start_2:
0x59: {  	(tag) =	ssettag $0x2  }
0x5a: {  	s0 =	rddreg [dreg:$0x0];
	s2 =	stileid.u32  }
0x5b: {  	s1 =	rddreg [dreg:$0x1];
	p0 =	sne.s32 s2, $0x0  }
0x5c: {  	s3 =	rddreg [dreg:$0x2];
	[bflag:$0x3] =	sbarrier.arrive $0xFFFF;
	s2 =	simm.s32 @!p0 $0x1C02  }
0x5d: {  	[timem:s3], [sflag:s2] =	dma.local @!p0 [hbm:s0], s1  }
0x5e: {  	s0 =	simm.s32 @!p0 $0x2  }
0x5f: {  	_ =	swait.ge @!p0 [sflag:s0], s1  }
0x60: {  	s1 =	ssub.s32 @!p0 $0x0, s1;
	[sflag:s0] =	ssyncset.done @!p0 $0x0  }
0x61: {  	[sflag:s0] =	ssyncadd.s32 @!p0 s1  }
0x62: {  	[bflag:$0x3] =	sbarrier.arrive $0xFFFF  }
0x63: {  	_ =	shalt  }

// kernel: kernel.16.cloned.1.call-start
scs
__scs_entry_jumppad:
0x0: {  	(pc) =	sbr.rel $0x88, $3  }
0x1: {  	(tag) =	ssettag $0x0;
	lr =	simm.s32 $0x1  }
0x2: {  	[smem:$0x3F84] =	sst lr;
	_ =	strace $0xD0000000  }
0x3: {  	_ = 	snop  }
0x4: {  	_ = 	snop  }
0x5: {  	_ = 	snop  }
0x6: {  	_ = 	snop  }
0x7: {  	_ = 	snop  }
__scs_overlays_trampoline_lowered:
0x8: {  	[smem:$0x3F93] =	sst s0  }
0x9: {  	[smem:$0x3F94] =	sst s1  }
0xa: {  	[smem:$0x3F95] =	sst s2  }
0xb: {  	[smem:$0x3F96] =	sst s3  }
0xc: {  	[smem:$0x3F97] =	sst s4  }
0xd: {  	[smem:$0x3F98] =	sst s5  }
0xe: {  	[smem:$0x3F99] =	sst s6  }
0xf: {  	[smem:$0x3F9A] =	sst s7  }
0x10: {  	[smem:$0x3F9B] =	sst s8  }
0x11: {  	[smem:$0x3F9C] =	sst s9;
	s0 =	simm.s32 @!p0 $0x0  }
0x12: {  	s1 =	sld [smem:$0x3F82];
	s0 =	simm.s32 @p0 $0x1  }
0x13: {  	[smem:$0x3F9D] =	sst s0;
	s0 =	simm.s32 @!p1 $0x0  }
0x14: {  	s2 =	sld [smem:$0x3F81];
	s0 =	simm.s32 @p1 $0x1  }
0x15: {  	[smem:$0x3F9E] =	sst s0;
	s0 =	simm.s32 @!p2 $0x0  }
0x16: {  	s3 =	sld [smem:$0x3FDB];
	s0 =	simm.s32 @p2 $0x1  }
0x17: {  	s4 =	simm.s32 $0x1BF5;
	[smem:$0x3FA0] =	sst s0  }
0x18: {  	s0 =	sld [smem:$0x3F83];
	_ =	swait.ge [sflag:s4], $0x0  }
0x19: {  	s7 =	sld [smem:$0x3F84]  }
0x1a: {  	s8 =	sadd.s32 $0xFFFFE003, lr  }
0x1b: {  	s9 =	sadd.s32 $0xFFFFFEF7, lr;
	s5 =	simm.s32 $0xFFFFFFFF;
	p2 =	slt.u32 s8, $0xFFFFF086  }
0x1c: {  	p1 =	slt.u32 s9, $0xF7A;
	s5 =	simm.s32 @!p2 $0x0  }
0x1d: {  	s5 =	simm.s32 @p1 $0x1;
	p0 =	seq.s32 s7, s2  }
0x1e: {  	s7 =	smul.u32 @!p0 $0xF7A, s2;
	p2 =	seq.s32 @!p0 s5, $0x0  }
0x1f: {  	s9 =	smul.u32 $0xF7A, s1;
	s8 =	simm.s32 @!p0 $0x1BF5;
	p2 =	por !p2, p0  }
0x20: {  	[sflag:s8] =	ssyncset.s32 @!p0 $0xFFFFF086;
	s6 =	sadd.s32 @!p0 s3, s7;
	s7 =	simm.s32 @!p0 $0x108  }
0x21: {  	s3 =	sadd.s32 s3, s9;
	s6 =	sadd.s32 @!p0 $0x88, s6;
	s7 =	simm.s32 @p2 $0x1082  }
0x22: {  	[simem:s7], [sflag:s8] =	dma.local @!p0 [hbm:s6], $0xF7A  }
0x23: {  	s9 =	sor.u32 $0xD0000000, s2;
	s6 =	simm.s32 $0x108;
	_ =	swait.ge @!p0 [sflag:s8], $0x0  }
0x24: {  	s3 =	sadd.s32 $0x88, s3;
	s6 =	simm.s32 @!p1 $0x1082;
	[sflag:s4] =	ssyncset.s32 $0xFFFFF086  }
0x25: {  	[simem:s6], [sflag:s4] =	dma.local [hbm:s3], $0xF7A  }
0x26: {  	[smem:$0x3F84] =	sst s1;
	(tag) =	ssettag s2;
	_ =	strace s9  }
0x27: {  	s1 =	sld [smem:$0x3F94]  }
0x28: {  	s2 =	sld [smem:$0x3F95]  }
0x29: {  	s4 =	sld [smem:$0x3F97]  }
0x2a: {  	p0 =	seq.s32 s5, $0x0;
	s5 =	sld [smem:$0x3F98]  }
0x2b: {  	s6 =	sld [smem:$0x3F99]  }
0x2c: {  	s7 =	sld [smem:$0x3F9A]  }
0x2d: {  	s3 =	simm.s32 $0x108;
	s8 =	sld [smem:$0x3F9B]  }
0x2e: {  	s3 =	simm.s32 @!p0 $0x1082;
	s9 =	sld [smem:$0x3F9C]  }
0x2f: {  	lr =	sadd.s32 s0, s3;
	s0 =	sld [smem:$0x3F93]  }
0x30: {  	s3 =	sld [smem:$0x3F96]  }
0x31: {  	[smem:$0x3F9F] =	sst s10  }
0x32: {  	s10 =	sld [smem:$0x3F9D];
	_ =	sdelay $0x3  }
0x33: {  	p0 =	seq.s32 s10, $0x1;
	s10 =	sld [smem:$0x3F9F];
	_ =	sdelay $0x3  }
0x34: {  	[smem:$0x3F9F] =	sst s10  }
0x35: {  	s10 =	sld [smem:$0x3F9E];
	_ =	sdelay $0x3  }
0x36: {  	p1 =	seq.s32 s10, $0x1;
	s10 =	sld [smem:$0x3F9F];
	_ =	sdelay $0x3  }
0x37: {  	[smem:$0x3F9F] =	sst s10  }
0x38: {  	s10 =	sld [smem:$0x3FA0]  }
0x39: {  	_ = 	snop;
	(pc) =	sbr.ind lr, $3  }
0x3a: {  	_ = 	snop  }
0x3b: {  	_ = 	snop  }
0x3c: {  	p2 =	seq.s32 s10, $0x1;
	s10 =	sld [smem:$0x3F9F]  }
0x3d: {  	_ =	shalt  }
0x3e: {  	_ =	shalt  }
0x3f: {  	_ =	shalt  }
0x40: {  	_ =	shalt  }
0x41: {  	_ =	shalt  }
0x42: {  	_ =	shalt  }
0x43: {  	_ =	shalt  }
0x44: {  	_ =	shalt  }
0x45: {  	_ =	shalt  }
0x46: {  	_ =	shalt  }
0x47: {  	_ =	shalt  }
0x48: {  	_ =	shalt  }
0x49: {  	_ =	shalt  }
0x4a: {  	_ =	shalt  }
0x4b: {  	_ =	shalt  }
0x4c: {  	_ =	shalt  }
0x4d: {  	_ =	shalt  }
0x4e: {  	_ =	shalt  }
0x4f: {  	_ =	shalt  }
0x50: {  	_ =	shalt  }
0x51: {  	_ =	shalt  }
0x52: {  	_ =	shalt  }
0x53: {  	_ =	shalt  }
0x54: {  	_ =	shalt  }
0x55: {  	_ =	shalt  }
0x56: {  	_ =	shalt  }
0x57: {  	_ =	shalt  }
0x58: {  	_ =	shalt  }
0x59: {  	_ =	shalt  }
0x5a: {  	_ =	shalt  }
0x5b: {  	_ =	shalt  }
0x5c: {  	_ =	shalt  }
0x5d: {  	_ =	shalt  }
0x5e: {  	_ =	shalt  }
0x5f: {  	_ =	shalt  }
0x60: {  	_ =	shalt  }
0x61: {  	_ =	shalt  }
0x62: {  	_ =	shalt  }
0x63: {  	_ =	shalt  }
0x64: {  	_ =	shalt  }
0x65: {  	_ =	shalt  }
0x66: {  	_ =	shalt  }
0x67: {  	_ =	shalt  }
0x68: {  	_ =	shalt  }
0x69: {  	_ =	shalt  }
0x6a: {  	_ =	shalt  }
0x6b: {  	_ =	shalt  }
0x6c: {  	_ =	shalt  }
0x6d: {  	_ =	shalt  }
0x6e: {  	_ =	shalt  }
0x6f: {  	_ =	shalt  }
0x70: {  	_ =	shalt  }
0x71: {  	_ =	shalt  }
0x72: {  	_ =	shalt  }
0x73: {  	_ =	shalt  }
0x74: {  	_ =	shalt  }
0x75: {  	_ =	shalt  }
0x76: {  	_ =	shalt  }
0x77: {  	_ =	shalt  }
0x78: {  	_ =	shalt  }
0x79: {  	_ =	shalt  }
0x7a: {  	_ =	shalt  }
0x7b: {  	_ =	shalt  }
0x7c: {  	_ =	shalt  }
0x7d: {  	_ =	shalt  }
0x7e: {  	_ =	shalt  }
0x7f: {  	_ =	shalt  }
0x80: {  	_ =	shalt  }
0x81: {  	_ =	shalt  }
0x82: {  	_ =	shalt  }
0x83: {  	_ =	shalt  }
0x84: {  	_ =	shalt  }
0x85: {  	_ =	shalt  }
0x86: {  	_ =	shalt  }
0x87: {  	_ =	shalt  }
.Lfunc_end0:
.L_simem_size_0:
called_computation.2_lowered:
.L_overlay_start_0:
0x88: {  	s2 =	sld [smem:$0x3FD9]  }
0x89: {  	s3 =	sld [smem:$0x3FFE];
	_ =	sdelay $0x1  }
0x8a: {  	s1 =	srdreg.scid  }
0x8b: {  	s0 =	sand.u32 $0x1, s1  }
0x8c: {  	s16 =	sshll.u32 s0, $0xA;
	s2 =	sadd.s32 s3, s2  }
0x8d: {  	s2 =	sadd.s32 s2, s16  }
0x8e: {  	[smem:$0x3FAB] =	sst s2  }
0x8f: {  	_ = 	snop  }
0x90: {  	(tm) =	ssettm $0x1  }
0x91: {  	s17 =	sld [smem:$0x3FFB];
	_ =	sdelay $0x3  }
0x92: {  	_ =	strace s17  }
0x93: {  	s2 =	sld [smem:$0x3FFC];
	_ =	sdelay $0x3  }
0x94: {  	_ =	strace s2  }
0x95: {  	s2 =	sld [smem:$0x3FFD];
	_ =	sdelay $0x3  }
0x96: {  	_ =	strace s2  }
0x97: {  	_ =	strace $0x8FFFFFFF  }
0x98: {  	s18 =	sld [smem:$0x3FDB];
	_ =	sdelay $0x1  }
0x99: {  	s19 =	simm.s32 $_scs_section_size  }
0x9a: {  	s4 =	simm.s32 $_size__tile_overlayer_lowered;
	s5 =	simm.s32 $_tile_overlayer_lowered  }
0x9b: {  	s22 =	simm.s32 $0x1BFF;
	s21 =	sshll.u32 s5, $0x1;
	s2 =	sadd.s32 s19, s18  }
0x9c: {  	s6 =	simm.s32 $0x0;
	s20 =	sshll.u32 s4, $0x1;
	s4 =	sadd.s32 s21, s2  }
0x9d: {  	[timem:s6], [sflag:s22] =	dma.local [hbm:s4], s20  }
0x9e: {  	_ =	swait.ge [sflag:s22], s20  }
0x9f: {  	s3 =	ssub.s32 $0x0, s20;
	[sflag:s22] =	ssyncset.done $0x0  }
0xa0: {  	[sflag:s22] =	ssyncadd.s32 s3;
	_ =	sdelay $0x1  }
0xa1: {  	s23 =	simm.s32 $0x1B8B  }
0xa2: {  	_ =	swait.ge [sflag:s23], $0x1  }
0xa3: {  	[sflag:s23] =	ssyncset.done $0x0  }
0xa4: {  	s25 =	simm.s32 $0x1B8E;
	s24 =	sld [smem:$0x3FFE];
	[sflag:s23] =	ssyncadd.s32 $0xFFFFFFFF  }
0xa5: {  	s26 =	simm.s32 $execute0_lowered;
	[smem:$0x3FD2] =	sst s25  }
0xa6: {  	s4 =	sshll.u32 s26, $0x1;
	_ =	strace $0x8000004C;
	[dreg:$0x1] =	wrdreg $0xFFFFFFFF  }
0xa7: {  	s28 =	simm.s32 $_size_execute0_lowered;
	s2 =	sadd.s32 s2, s4;
	[dreg:$0x0] =	wrdreg $0x0  }
0xa8: {  	s4 =	sshll.u32 s28, $0x1;
	[dreg:$0x2] =	wrdreg s2  }
0xa9: {  	[dreg:$0x3] =	wrdreg s4  }
0xaa: {  	[dreg:$0x4] =	wrdreg $0xC0  }
0xab: {  	_ =	task [dreg:s6], $0x5FFFF  }
0xac: {  	[dreg:$0x1] =	wrdreg $0xFFFFFFFF  }
0xad: {  	[dreg:$0x0] =	wrdreg $0x60  }
0xae: {  	[dreg:$0x2] =	wrdreg s24  }
0xaf: {  	[dreg:$0x3] =	wrdreg $0x41000  }
0xb0: {  	[dreg:$0x4] =	wrdreg $0x9  }
0xb1: {  	_ =	task.clear_ibuf [dreg:s6], $0x5FFFF;
	_ =	strace $0x9000004C  }
0xb2: {  	s29 =	simm.s32 $0x9;
	_ =	strace $0x8000004E  }
0xb3: {  	_ =	swait.ge [sflag:s29], $0x1  }
0xb4: {  	[sflag:s29] =	ssyncadd.s32 $0xFFFFFFFF  }
0xb5: {  	_ =	strace $0x9000004E  }
0xb6: {  	_ =	sfence  }
0xb7: {  	s30 =	sld [smem:$0x0];
	_ =	sdelay $0x2  }
0xb8: {  	s31 =	sshll.u32 s1, $0xD;
	s1 =	sshrl.u32 s1, $0x2  }
0xb9: {  	s3 =	sand.u32 $0x4000, s31;
	s1 =	sadd.s32 s1, s30  }
0xba: {  	s0 =	sor.u32 s3, s0;
	s1 =	sshll.u32 s1, $0x11  }
0xbb: {  	s0 =	sor.u32 s1, s0  }
0xbc: {  	s0 =	sadd.s32 $0x8F2B, s0  }
0xbd: {  	[sflag:s0] =	ssyncadd.remote.s32 $0x1  }
0xbe: {  	_ =	sfence.sel $0xFFFF  }
0xbf: {  	[dreg:$0x0] =	wrdreg $0xFFFFFFFF;
	(pc) =	sbr.abs _section_cstart, $3  }
0xc0: {  	[dreg:$0x1] =	wrdreg $0xFFFFFFFF  }
0xc1: {  	_ =	task.clear_ibuf [dreg:s6], $0x2FFFF;
	_ =	strace $0x9FFFFFFF  }
0xc2: {  	(tm) =	ssettm $0x7FFFFFFF  }
0xc3: {  	_ =	shalt  }
tec
execute0_lowered:
.L_overlay_start_1:
0x0: {  	(tag) =	ssettag $0x1  }
0x1: {  	s7 =	rddreg [dreg:$0x0]  }
0x2: {  	s1 =	rddreg [dreg:$0x1]  }
0x3: {  	s0 =	rddreg [dreg:$0x2];
	s2 =	simm.s32 $0x0  }
0x4: {  	s3 =	stileid.u32;
	s8 =	srdreg.scid;
	s14 =	simm.s32 $0x100  }
0x5: {  	s15 =	simm.s32 $0x80;
	s16 =	simm.s32 $0x1;
	s17 =	simm.s32 $0x0  }
0x6: {  	[smem:$0x7FF] =	sst s2;
	s4 =	sadd.s32 $0x5800, s7;
	s5 =	sadd.s32 $0x13B7800, s7  }
0x7: {  	s6 =	sadd.s32 $0x2D800, s7;
	s9 =	smul.u32 $0x2800, s3;
	s8 =	sand.u32 $0x1, s8  }
0x8: {  	s11 =	sshll.u32 s3, $0x1;
	s12 =	smul.u32 $0x50000, s3;
	s31 =	sshll.u32 s3, $0x6  }
0x9: {  	_ =	strace $0x8000004D;
	s10 =	ssub.s32 $0x2, s8;
	s29 =	sor.u32 s8, s11  }
0xa: {  	p0 =	seq.s32 s8, $0x1;
	s11 =	simm.s32 $0x91400;
	s13 =	sadd.s32 s9, s7  }
0xb: {  	s28 =	sshrl.u32 s10, $0x1;
	s7 =	smul.u32 $0x4F, s29;
	s30 =	sshrl.u32 s12, $0x2  }
0xc: {  	s11 =	simm.s32 @!p0 $0x69400;
	s9 =	sor.u32 $0x1C02, s31;
	s10 =	ssub.s32 s10, s28  }
0xd: {  	s12 =	sadd.s32 s30, s1;
	s8 =	sadd.s32 $0x41400, s13;
	s11 =	sadd.s32 s11, s13  }
0xe: {  	s13 =	simm.s32 $0x2;
	s10 =	smax.u32 s10, $0x1;
	s12 =	sshrl.u32 s12, $0x3  }
.LBB2_1:
0xf: {  	[spmem:s12], [sflag:s9] =	dma.local [hbm:s8], $0x2800  }
0x10: {  	_ =	swait.ge [sflag:s13], $0x2800  }
0x11: {  	[sflag:s13] =	ssyncset.done $0x0  }
0x12: {  	[sflag:s13] =	ssyncadd.s32 $0xFFFFD800  }
0x13: {  	s18 =	simm.s32 $0x0;
	[bflag:$0x0] =	sbarrier.arrive $0xFFFF  }
.LBB2_2:
0x14: {  	s19 =	sadd.s32 s7, s18  }
0x15: {  	s20 =	sshll.u32 s19, $0x5  }
0x16: {  	s20 =	sadd.s32 s6, s20  }
0x17: {  	[tilespmem:s2], [sflag:$0x2] =	stream.linear.gather [hbm4b:s20+s2], $0x100, $0x38;
	[tilespmem:$0x18100] =	vst v63  }
0x18: {  	_ =	swait.ge [sflag:s13], $0x100  }
0x19: {  	s19 =	sshll.u32 s19, $0xB;
	[sflag:s13] =	ssyncset.done $0x0  }
0x1a: {  	s19 =	sadd.s32 s5, s19;
	[sflag:s13] =	ssyncadd.s32 $0xFFFFFF00  }
0x1b: {  	[tilespmem:s14], [sflag:$0x2] =	stream.linear.gather [hbm4b:s19+s2], $0x4000, $0x38;
	[tilespmem:$0x18100] =	vst v63  }
0x1c: {  	_ =	swait.ge [sflag:s13], $0x4000  }
0x1d: {  	[sflag:s13] =	ssyncset.done $0x0  }
0x1e: {  	[sflag:s13] =	ssyncadd.s32 $0xFFFFC000  }
0x1f: {  	[tilespmem:s14], [sflag:$0x1] =	stream.indirect.gather.add.f32 [hbm:s4], $0x80, s2, s15, $0xb8;
	[tilespmem:$0x18100] =	vst v63  }
0x20: {  	_ =	swait.ge [sflag:s16], $0x4000  }
0x21: {  	[sflag:s16] =	ssyncset.done $0x0  }
0x22: {  	s19 =	simm.s32 $0x180;
	[sflag:s16] =	ssyncadd.s32 $0xFFFFC000  }
0x23: {  	v0 =	vld [tilespmem:s19+$0xFFFFFF80]  }
0x24: {  	v1 =	vld [tilespmem:s19+$0xFFFFFF90]  }
0x25: {  	v2 =	vld [tilespmem:s19+$0xFFFFFFA0]  }
0x26: {  	v3 =	vld [tilespmem:s19+$0xFFFFFFB0]  }
0x27: {  	v4 =	vld [tilespmem:s19+$0xFFFFFFC0]  }
0x28: {  	v5 =	vld [tilespmem:s19+$0xFFFFFFD0];
	v0 =	vmax.f32 v0, $0.0e+00  }
0x29: {  	[tilespmem:s19+$0xFFFFFF80] =	vst v0;
	v0 =	vmax.f32 v1, $0.0e+00;
	v1 =	vld [tilespmem:s19+$0xFFFFFFE0]  }
0x2a: {  	[tilespmem:s19+$0xFFFFFF90] =	vst v0;
	v0 =	vmax.f32 v2, $0.0e+00;
	v2 =	vld [tilespmem:s19+$0x0]  }
0x2b: {  	[tilespmem:s19+$0xFFFFFFA0] =	vst v0;
	v0 =	vmax.f32 v3, $0.0e+00;
	v3 =	vld [tilespmem:s19+$0x10]  }
0x2c: {  	[tilespmem:s19+$0xFFFFFFB0] =	vst v0;
	v0 =	vmax.f32 v4, $0.0e+00;
	v4 =	vld [tilespmem:s19+$0x20]  }
0x2d: {  	[tilespmem:s19+$0xFFFFFFC0] =	vst v0;
	v0 =	vmax.f32 v5, $0.0e+00;
	v5 =	vld [tilespmem:s19+$0x30]  }
0x2e: {  	[tilespmem:s19+$0xFFFFFFD0] =	vst v0;
	v1 =	vmax.f32 v1, $0.0e+00;
	v0 =	vld [tilespmem:s19+$0x40]  }
0x2f: {  	[tilespmem:s19+$0xFFFFFFE0] =	vst v1;
	v2 =	vmax.f32 v2, $0.0e+00;
	v1 =	vld [tilespmem:s19+$0x50]  }
0x30: {  	[tilespmem:s19+$0x0] =	vst v2;
	v3 =	vmax.f32 v3, $0.0e+00;
	v2 =	vld [tilespmem:s19+$0x60]  }
0x31: {  	[tilespmem:s19+$0x10] =	vst v3;
	v6 =	vmax.f32 v4, $0.0e+00;
	v4 =	vld [tilespmem:s19+$0x70]  }
0x32: {  	s21 =	simm.s32 $0x280;
	s20 =	simm.s32 $0x0;
	v3 =	vld [tilespmem:s19+$0xFFFFFFF0];
	[tilespmem:s19+$0x20] =	vst v6;
	v5 =	vmax.f32 v5, $0.0e+00  }
.LBB2_3:
0x33: {  	v6 =	vld [tilespmem:s21+$0xFFFFFF80];
	[tilespmem:s19+$0x30] =	vst v5;
	v0 =	vmax.f32 v0, $0.0e+00  }
0x34: {  	v5 =	vld [tilespmem:s21+$0xFFFFFF90];
	[tilespmem:s19+$0x40] =	vst v0;
	v0 =	vmax.f32 v1, $0.0e+00  }
0x35: {  	v1 =	vld [tilespmem:s21+$0xFFFFFFA0];
	[tilespmem:s19+$0x50] =	vst v0;
	v0 =	vmax.f32 v2, $0.0e+00  }
0x36: {  	v2 =	vld [tilespmem:s21+$0xFFFFFFB0];
	[tilespmem:s19+$0x60] =	vst v0;
	v0 =	vmax.f32 v4, $0.0e+00  }
0x37: {  	v4 =	vld [tilespmem:s21+$0xFFFFFFC0];
	v3 =	vmax.f32 v3, $0.0e+00;
	[tilespmem:s19+$0x70] =	vst v0  }
0x38: {  	v0 =	vmax.f32 v6, $0.0e+00;
	v6 =	vld [tilespmem:s21+$0xFFFFFFD0];
	[tilespmem:s19+$0xFFFFFFF0] =	vst v3;
	s19 =	smov.u32 s21  }
0x39: {  	[tilespmem:s21+$0xFFFFFF80] =	vst v0;
	v0 =	vmax.f32 v5, $0.0e+00;
	v3 =	vld [tilespmem:s21+$0xFFFFFFE0]  }
0x3a: {  	[tilespmem:s21+$0xFFFFFF90] =	vst v0;
	v0 =	vmax.f32 v1, $0.0e+00;
	v1 =	vld [tilespmem:s21+$0x0]  }
0x3b: {  	[tilespmem:s21+$0xFFFFFFA0] =	vst v0;
	v0 =	vmax.f32 v2, $0.0e+00;
	v2 =	vld [tilespmem:s21+$0x10]  }
0x3c: {  	s20 =	sadd.s32 $0x2, s20;
	[tilespmem:s21+$0xFFFFFFB0] =	vst v0;
	v0 =	vmax.f32 v4, $0.0e+00;
	v4 =	vld [tilespmem:s21+$0x20]  }
0x3d: {  	p0 =	slt.u32 s20, $0x7E;
	[tilespmem:s21+$0xFFFFFFC0] =	vst v0;
	v0 =	vmax.f32 v6, $0.0e+00;
	v5 =	vld [tilespmem:s21+$0x30]  }
.Ltmp0:
0x3e: {  	[tilespmem:s21+$0xFFFFFFD0] =	vst v0;
	v3 =	vmax.f32 v3, $0.0e+00;
	v0 =	vld [tilespmem:s21+$0x40];
	(pc) =	sbr.rel @p0 .LBB2_3-.Ltmp0, $4  }
0x3f: {  	[tilespmem:s21+$0xFFFFFFE0] =	vst v3;
	v3 =	vmax.f32 v1, $0.0e+00;
	v1 =	vld [tilespmem:s21+$0x50]  }
0x40: {  	[tilespmem:s21+$0x0] =	vst v3;
	v3 =	vmax.f32 v2, $0.0e+00;
	v2 =	vld [tilespmem:s21+$0x60]  }
0x41: {  	[tilespmem:s21+$0x10] =	vst v3;
	v6 =	vmax.f32 v4, $0.0e+00;
	v4 =	vld [tilespmem:s21+$0x70]  }
0x42: {  	s21 =	sadd.s32 $0x100, s21;
	v3 =	vld [tilespmem:s19+$0xFFFFFFF0];
	[tilespmem:s19+$0x20] =	vst v6;
	v5 =	vmax.f32 v5, $0.0e+00  }
0x43: {  	[tilespmem:s19+$0x30] =	vst v5;
	v0 =	vmax.f32 v0, $0.0e+00  }
0x44: {  	[tilespmem:s19+$0x40] =	vst v0;
	v60 =	vmax.f32 v1, $0.0e+00  }
0x45: {  	[tilespmem:s19+$0x50] =	vst v60;
	v61 =	vmax.f32 v2, $0.0e+00  }
0x46: {  	s18 =	sadd.s32 $0x1, s18;
	[tilespmem:s19+$0x60] =	vst v61;
	v62 =	vmax.f32 v4, $0.0e+00  }
0x47: {  	p0 =	sne.s32 s18, $0x4F;
	v63 =	vmax.f32 v3, $0.0e+00;
	[tilespmem:s19+$0x70] =	vst v62  }
.Ltmp1:
0x48: {  	[tilespmem:s19+$0xFFFFFFF0] =	vst v63;
	(pc) =	sbr.rel @p0 .LBB2_2-.Ltmp1, $4  }
0x49: {  	[spmem:s1] =	stream.indirect.scatter.add.f32 [tilespmem:s14], [sflag:$0x2], $0x80, s15, s15, $0xb8;
	[tilespmem:$0x18100] =	vst v63  }
0x4a: {  	_ =	swait.ge [sflag:s13], $0x4000  }
0x4b: {  	[sflag:s13] =	ssyncset.done $0x0  }
0x4c: {  	[sflag:s13] =	ssyncadd.s32 $0xFFFFC000  }
0x4d: {  	s17 =	sadd.s32 $0x1, s17  }
0x4e: {  	p0 =	sne.s32 s17, s10  }
.Ltmp2:
0x4f: {  	[bflag:$0x0] =	sbarrier.arrive $0xFFFF;
	(pc) =	sbr.rel @p0 .LBB2_1-.Ltmp2, $4  }
0x50: {  	[hbm:s11], [sflag:s9] =	dma.local [spmem:s12], $0x2800  }
0x51: {  	_ =	swait.ge [sflag:s13], $0x2800  }
0x52: {  	[sflag:s13] =	ssyncset.done $0x0  }
0x53: {  	[sflag:s13] =	ssyncadd.s32 $0xFFFFD800  }
0x54: {  	_ =	sfence.sel $0x180000  }
0x55: {  	[bflag:$0x0] =	sbarrier.arrive $0xFFFF  }
0x56: {  	p0 =	sne.s32 s3, $0x0;
	_ =	strace $0x9000004D  }
0x57: {  	s0 =	sadd.s32 @!p0 $0x100000, s0;
	[bflag:$0x2] =	sbarrier.arrive $0xFFFF  }
0x58: {  	[sflag:s0] =	ssyncadd.tile.s32 @!p0 $0x1;
	_ =	shalt  }
.Lfunc_end2:
_tile_overlayer_lowered:
.L_overlay_start_2:
0x59: {  	(tag) =	ssettag $0x2  }
0x5a: {  	s0 =	rddreg [dreg:$0x0];
	s2 =	stileid.u32  }
0x5b: {  	s1 =	rddreg [dreg:$0x1];
	p0 =	sne.s32 s2, $0x0  }
0x5c: {  	s3 =	rddreg [dreg:$0x2];
	[bflag:$0x3] =	sbarrier.arrive $0xFFFF;
	s2 =	simm.s32 @!p0 $0x1C02  }
0x5d: {  	[timem:s3], [sflag:s2] =	dma.local @!p0 [hbm:s0], s1  }
0x5e: {  	s0 =	simm.s32 @!p0 $0x2  }
0x5f: {  	_ =	swait.ge @!p0 [sflag:s0], s1  }
0x60: {  	s1 =	ssub.s32 @!p0 $0x0, s1;
	[sflag:s0] =	ssyncset.done @!p0 $0x0  }
0x61: {  	[sflag:s0] =	ssyncadd.s32 @!p0 s1  }
0x62: {  	[bflag:$0x3] =	sbarrier.arrive $0xFFFF  }
0x63: {  	_ =	shalt  }

</sc_bundles>
